<compile_context>
chip_gen: v7x
topology: tpu7x:2x2x1
jax: 0.10.2.dev20260603
libtpu: 0.0.44.dev20260713+nightly
codegen_flags: <defaults>
</compile_context>

<pallas_src>
import functools

import jax
import jax.numpy as jnp
from jax import lax
from jax.experimental import pallas as pl
from jax.experimental.pallas import tpu as pltpu
from jax.experimental.pallas import tpu_sc as plsc

N = 10000
E = 320000
KD = 128
MD = 16
NPAD = 10240
EP = 327680
BG = 2 * EP
BE = 512
NBLK = EP // BE
D1 = 640
NC = 2
NS = 16
NW = NC * NS
CH = 128

_f32 = jnp.float32
_i32 = jnp.int32


def _mesh():
    return plsc.VectorSubcoreMesh(
        core_axis_name="c", subcore_axis_name="s", num_cores=NC, num_subcores=NS
    )


@functools.partial(jax.jit, static_argnames=("ncpw", "d"))
def _sc_gather(table, idx2d, *, ncpw, d):
    b = idx2d.shape[0] * CH
    kfire = 5

    def body(table_hbm, idx_hbm, out_hbm, idx_v, rows_v, sems):
        wid = lax.axis_index("s") * NC + lax.axis_index("c")
        pltpu.sync_copy(idx_hbm.at[pl.ds(wid * ncpw, ncpw)], idx_v)

        def chunk(i, _):
            c0 = wid * ncpw + i * kfire
            descs = [
                pltpu.async_copy(
                    table_hbm.at[idx_v.at[i * kfire + k]], rows_v.at[k], sems.at[k]
                )
                for k in range(kfire)
            ]
            for k in range(kfire):
                descs[k].wait()
                pltpu.sync_copy(rows_v.at[k], out_hbm.at[pl.ds((c0 + k) * CH, CH)])
            return _

        lax.fori_loop(0, ncpw // kfire, chunk, 0)

    f = pl.kernel(
        body,
        out_type=jax.ShapeDtypeStruct((b, d), table.dtype),
        mesh=_mesh(),
        scratch_types=[
            pltpu.VMEM((ncpw, CH), _i32),
            pltpu.VMEM((kfire, CH, d), table.dtype),
            pltpu.SemaphoreType.DMA((kfire,)),
        ],
        compiler_params=pltpu.CompilerParams(use_tc_tiling_on_sc=False),
    )
    return f(table, idx2d)


@functools.partial(jax.jit, static_argnames=("ncpw", "nr"))
def _sc_scatter_add(m, idx2d, zeros, *, ncpw, nr):
    rpt = nr // NS

    def body(m_hbm, idx_hbm, z_hbm, out_hbm, idx_v, rows_v, acc_sh):
        cid = lax.axis_index("c")
        sid = lax.axis_index("s")
        wid = sid * NC + cid
        pltpu.sync_copy(idx_hbm.at[pl.ds(wid * ncpw, ncpw)], idx_v)
        pltpu.sync_copy(
            z_hbm.at[pl.ds(sid * rpt, rpt)], acc_sh.at[pl.ds(sid * rpt, rpt)]
        )
        plsc.subcore_barrier()

        def chunk(i, _):
            pltpu.sync_copy(m_hbm.at[pl.ds((wid * ncpw + i) * CH, CH)], rows_v)
            pltpu.sync_copy(rows_v, acc_sh.at[idx_v.at[i]], add=True)
            return _

        lax.fori_loop(0, ncpw, chunk, 0)
        plsc.subcore_barrier()
        pltpu.sync_copy(
            acc_sh.at[pl.ds(sid * rpt, rpt)], out_hbm.at[cid, pl.ds(sid * rpt, rpt)]
        )

    f = pl.kernel(
        body,
        out_type=jax.ShapeDtypeStruct((NC, nr, MD), _f32),
        mesh=_mesh(),
        scratch_types=[
            pltpu.VMEM((ncpw, CH), _i32),
            pltpu.VMEM((CH, MD), _f32),
            pltpu.VMEM_SHARED((nr, MD), _f32),
        ],
        compiler_params=pltpu.CompilerParams(use_tc_tiling_on_sc=False),
    )
    return f(m, idx2d, zeros)


def _silu(x):
    return x * jax.nn.sigmoid(x)


def _dot(a, b):
    return jnp.dot(a, b, preferred_element_type=_f32)


def _dot_exact(a, b):
    return lax.dot_general(
        a, b, (((1,), (0,)), ((), ())), precision="highest",
        preferred_element_type=_f32,
    )


def _fold_sum(x):
    w = x.shape[1]
    while w > 1:
        x = x[:, : w // 2] + x[:, w // 2 :]
        w //= 2
    return x


def _lnorm(x, g, b):
    n = x.shape[-1]
    mu = _fold_sum(x) / float(n)
    xc = x - mu
    var = _fold_sum(xc * xc) / float(n)
    return xc / jnp.sqrt(var + 1e-5) * g + b


def _full(shape):
    nd = len(shape)
    return pl.BlockSpec(shape, lambda i: (0,) * nd)


def _pre_body(ai_ref, ri_ref, pp_ref, ae, re, pw, pb, p1, b1, p2, b2, o_ref):
    ai = ai_ref[0, 0, :].reshape(BE, 1)
    ri = ri_ref[0, 0, :].reshape(BE, 1)
    oh_a = (ai == lax.broadcasted_iota(_i32, (1, 32), 1)).astype(_f32)
    oh_r = (ri == lax.broadcasted_iota(_i32, (1, 256), 1)).astype(_f32)
    fa = _dot_exact(oh_a, ae[...])
    fr = _dot_exact(oh_r, re[...])
    fp = _dot(pp_ref[...], pw[...]) + pb[...]
    cat = jnp.concatenate([fa, fr, fp], axis=-1)
    t = _silu(_dot(cat, p1[...]) + b1[...])
    o_ref[...] = _dot(t, p2[...]) + b2[...]


def _ea_body(rd_ref, o_ref):
    d = rd_ref[...]
    inv = jnp.exp2(-lax.broadcasted_iota(_i32, (1, 16), 1).astype(_f32))
    xs = d * inv
    o_ref[...] = jnp.concatenate(
        [jnp.sin(xs), jnp.cos(xs), d, jnp.zeros((BE, 31), _f32)], axis=-1
    )


def _edge_body(xj_ref, xi_ref, ea_ref, w1ab, w1c, b1, w2, b2, g1, bb1, o_ref):
    cat = jnp.concatenate([xi_ref[...], xj_ref[...]], axis=-1)
    h = (_dot(cat, w1ab[...]) + _dot(ea_ref[...], w1c[...])) + b1[...]
    m = _silu(_dot(_silu(h), w2[...]) + b2[...])
    o_ref[...] = _lnorm(m, g1[...], bb1[...])


def _node_body(f_ref, mga_ref, mgb_ref, n1, nb1, n2, nb2, ge2, be2, gn1, bn1, gn2, bn2, o_ref):
    f = f_ref[...]
    msum = (mga_ref[0] + mga_ref[1]) + (mgb_ref[0] + mgb_ref[1])
    mi = _lnorm(msum, ge2[...], be2[...])
    hid = _lnorm(f, gn1[...], bn1[...])
    cat = jnp.concatenate([hid, mi], axis=-1)
    t = _silu(_dot(cat, n1[...]) + nb1[...])
    ho = _dot(t, n2[...]) + nb2[...]
    o_ref[...] = f + _lnorm(ho, gn2[...], bn2[...])


def _post_body(f1_ref, f2_ref, f3_ref, q1ab, q1c, c1, q2, c2, q3, c3, o_ref):
    cat = jnp.concatenate([f1_ref[...], f2_ref[...]], axis=-1)
    h = _silu((_dot(cat, q1ab[...]) + _dot(f3_ref[...], q1c[...])) + c1[...])
    h = _silu(_dot(h, q2[...]) + c2[...])
    o_ref[...] = _silu(_dot(h, q3[...]) + c3[...])


def _row(v):
    return v.reshape(1, -1)


def _pad2(w, r, c):
    return jnp.pad(w, ((0, r - w.shape[0]), (0, c - w.shape[1])))


def kernel(pos, props, atom_idx, residue_idx, edge_index, params):
    src = edge_index[0].astype(_i32)
    dst = edge_index[1].astype(_i32)

    eph = EP // 2
    eh = E // 2
    padzh = jnp.zeros((eph - eh,), _i32)
    dumh = jnp.full((eph - eh,), N, _i32)
    idx_h = [
        jnp.concatenate([src[h * eh : (h + 1) * eh], padzh,
                         dst[h * eh : (h + 1) * eh], padzh]).reshape(2 * eph // CH, CH)
        for h in range(2)
    ]
    dst_h = [
        jnp.concatenate([dst[h * eh : (h + 1) * eh], dumh]).reshape(eph // CH, CH)
        for h in range(2)
    ]

    pos_pad = jnp.pad(pos, ((0, NPAD - N), (0, 13)))
    props_pad = jnp.pad(props, ((0, NPAD - N), (0, 6)))
    ai3 = jnp.pad(atom_idx.astype(_i32), (0, NPAD - N)).reshape(NPAD // BE, 1, BE)
    ri3 = jnp.pad(residue_idx.astype(_i32), (0, NPAD - N)).reshape(NPAD // BE, 1, BE)
    zeros_nr = jnp.zeros((NPAD, MD), _f32)

    p = params
    grid_n = (NPAD // BE,)
    grid_e = (NBLK,)

    pre_ws = [
        _pad2(p["atom_emb"], 32, 64),
        _pad2(p["residue_emb"], 256, 64),
        _pad2(p["prop_lin"]["w"], 8, 32),
        _row(p["prop_lin"]["b"]),
        p["pre1"]["w"],
        _row(p["pre1"]["b"]),
        p["pre2"]["w"],
        _row(p["pre2"]["b"]),
    ]
    feats = pl.pallas_call(
        _pre_body,
        grid=grid_n,
        in_specs=[
            pl.BlockSpec((1, 1, BE), lambda i: (i, 0, 0)),
            pl.BlockSpec((1, 1, BE), lambda i: (i, 0, 0)),
            pl.BlockSpec((BE, 8), lambda i: (i, 0)),
        ]
        + [_full(w.shape) for w in pre_ws],
        out_specs=pl.BlockSpec((BE, KD), lambda i: (i, 0)),
        out_shape=jax.ShapeDtypeStruct((NPAD, KD), _f32),
    )(ai3, ri3, props_pad, *pre_ws)

    grid_h = (eph // BE,)
    ea_h = []
    posg_h = [_sc_gather(pos_pad, idx_h[h], ncpw=2 * eph // NW // CH, d=16)
              for h in range(2)]
    for h in range(2):
        rel3 = posg_h[h][:eph, :3] - posg_h[h][eph:, :3]
        rd = jnp.sum(rel3**2, axis=-1, keepdims=True)
        ea_h.append(pl.pallas_call(
            _ea_body,
            grid=grid_h,
            in_specs=[pl.BlockSpec((BE, 1), lambda i: (i, 0))],
            out_specs=pl.BlockSpec((BE, 64), lambda i: (i, 0)),
            out_shape=jax.ShapeDtypeStruct((eph, 64), _f32),
        )(rd))

    feat_list = []
    nblk_h = eph // BE
    for kp in p["kernels"]:
        gaths = [_sc_gather(feats, idx_h[h], ncpw=2 * eph // NW // CH, d=KD)
                 for h in range(2)]
        edge_ws = [
            _pad2(kp["e1"]["w"][:256], 256, D1),
            _pad2(kp["e1"]["w"][256:], 64, D1),
            _row(jnp.pad(kp["e1"]["b"], (0, D1 - 2 * 289))),
            _pad2(kp["e2"]["w"], D1, MD),
            _row(kp["e2"]["b"]),
            _row(kp["ln_e1_g"]),
            _row(kp["ln_e1_b"]),
        ]
        maggs = []
        for h in range(2):
            m = pl.pallas_call(
                _edge_body,
                grid=grid_h,
                in_specs=[
                    pl.BlockSpec((BE, KD), lambda i: (i, 0)),
                    pl.BlockSpec((BE, KD), lambda i, _n=nblk_h: (i + _n, 0)),
                    pl.BlockSpec((BE, 64), lambda i: (i, 0)),
                ]
                + [_full(w.shape) for w in edge_ws],
                out_specs=pl.BlockSpec((BE, MD), lambda i: (i, 0)),
                out_shape=jax.ShapeDtypeStruct((eph, MD), _f32),
            )(gaths[h], gaths[h], ea_h[h], *edge_ws)
            maggs.append(
                _sc_scatter_add(m, dst_h[h], zeros_nr, ncpw=eph // NW // CH, nr=NPAD)
            )

        node_ws = [
            kp["n1"]["w"],
            _row(kp["n1"]["b"]),
            kp["n2"]["w"],
            _row(kp["n2"]["b"]),
            _row(kp["ln_e2_g"]),
            _row(kp["ln_e2_b"]),
            _row(kp["ln_n1_g"]),
            _row(kp["ln_n1_b"]),
            _row(kp["ln_n2_g"]),
            _row(kp["ln_n2_b"]),
        ]
        feats = pl.pallas_call(
            _node_body,
            grid=grid_n,
            in_specs=[
                pl.BlockSpec((BE, KD), lambda i: (i, 0)),
                pl.BlockSpec((NC, BE, MD), lambda i: (0, i, 0)),
                pl.BlockSpec((NC, BE, MD), lambda i: (0, i, 0)),
            ]
            + [_full(w.shape) for w in node_ws],
            out_specs=pl.BlockSpec((BE, KD), lambda i: (i, 0)),
            out_shape=jax.ShapeDtypeStruct((NPAD, KD), _f32),
        )(feats, maggs[0], maggs[1], *node_ws)
        feat_list.append(feats)

    post_ws = [
        p["post1"]["w"][: 2 * KD],
        p["post1"]["w"][2 * KD :],
        _row(p["post1"]["b"]),
        p["post2"]["w"],
        _row(p["post2"]["b"]),
        p["post3"]["w"],
        _row(p["post3"]["b"]),
    ]
    h = pl.pallas_call(
        _post_body,
        grid=grid_n,
        in_specs=[pl.BlockSpec((BE, KD), lambda i: (i, 0))] * 3
        + [_full(w.shape) for w in post_ws],
        out_specs=pl.BlockSpec((BE, KD), lambda i: (i, 0)),
        out_shape=jax.ShapeDtypeStruct((NPAD, KD), _f32),
    )(*feat_list, *post_ws)
    return h[:N]

# --- scband reference (transcript-rebuilt; emitter-appended) ---
"""Pipeline reference for scband-graph-transformer-16604343567136 (READ-ONLY COPY).

The authoritative reference and input builder live on the scoring server;
editing this copy changes nothing except your own understanding.
"""

import jax, jax.numpy as jnp
import numpy as np

N = 10000
E = 320000
KD = 128
MD = 16
FF = 16
EDIM = FF * 2 + 1 + KD * 2  # 289
N_KERNELS = 3


def _lin_params(key, din, dout):
    k1, _ = jax.random.split(key)
    return {"w": jax.random.normal(k1, (din, dout), jnp.float32) * 0.02,
            "b": jnp.zeros((dout,), jnp.float32)}


def _kernel_params(key):
    ks = jax.random.split(key, 4)
    return {
        "e1": _lin_params(ks[0], EDIM, EDIM * 2),
        "e2": _lin_params(ks[1], EDIM * 2, MD),
        "n1": _lin_params(ks[2], KD + MD, KD * 2),
        "n2": _lin_params(ks[3], KD * 2, KD),
        "ln_e1_g": jnp.ones((MD,), jnp.float32), "ln_e1_b": jnp.zeros((MD,), jnp.float32),
        "ln_e2_g": jnp.ones((MD,), jnp.float32), "ln_e2_b": jnp.zeros((MD,), jnp.float32),
        "ln_n1_g": jnp.ones((KD,), jnp.float32), "ln_n1_b": jnp.zeros((KD,), jnp.float32),
        "ln_n2_g": jnp.ones((KD,), jnp.float32), "ln_n2_b": jnp.zeros((KD,), jnp.float32),
    }


def setup_inputs(seed: int = 0):
    key = jax.random.key(seed)
    ks = jax.random.split(key, 16)
    pos = jax.random.normal(ks[0], (N, 3), jnp.float32) * 10.0
    props = jax.random.normal(ks[1], (N, 2), jnp.float32)
    atom_idx = jax.random.randint(ks[2], (N,), 0, 22)
    residue_idx = jax.random.randint(ks[3], (N,), 0, 255)
    edge_index = jax.random.randint(ks[4], (2, E), 0, N)
    params = {
        "atom_emb": jax.random.normal(ks[5], (22, 64), jnp.float32) * 0.02,
        "residue_emb": jax.random.normal(ks[6], (255, 64), jnp.float32) * 0.02,
        "prop_lin": _lin_params(ks[7], 2, 32),
        "pre1": _lin_params(ks[8], 32 + 64 * 2, KD),
        "pre2": _lin_params(ks[9], KD, KD),
        "kernels": [_kernel_params(ks[10 + i]) for i in range(N_KERNELS)],
        "post1": _lin_params(ks[13], KD * N_KERNELS, KD),
        "post2": _lin_params(ks[14], KD, KD),
        "post3": _lin_params(ks[15], KD, KD),
    }
    return {"pos": pos, "props": props, "atom_idx": atom_idx,
            "residue_idx": residue_idx, "edge_index": edge_index, "params": params}


def _lin(p, x):
    return x @ p["w"] + p["b"]


def _ln(x, g, b):
    mu = jnp.mean(x, axis=-1, keepdims=True)
    var = jnp.var(x, axis=-1, keepdims=True)
    return (x - mu) / jnp.sqrt(var + 1e-5) * g + b


def _fourier_encode_dist(x, num_encodings=16):
    # x: [E, 1]
    x = x[..., None]  # [E, 1, 1]
    scales = 2.0 ** jnp.arange(num_encodings, dtype=x.dtype)
    xs = x / scales  # [E, 1, 16]
    enc = jnp.concatenate([jnp.sin(xs), jnp.cos(xs)], axis=-1)  # [E, 1, 32]
    enc = jnp.concatenate([enc, x], axis=-1)  # [E, 1, 33]
    return enc[:, 0, :]  # squeeze(1) -> [E, 33]


def _egnn_sparse(x, ei, p):
    silu = jax.nn.silu
    coors = x[:, :3]
    feats = x[:, 3:]
    rel_coors = coors[ei[0]] - coors[ei[1]]
    rel_dist = jnp.sum(rel_coors ** 2, axis=-1, keepdims=True)  # [E, 1]
    edge_attr = _fourier_encode_dist(rel_dist)  # [E, 33]
    x_i = feats[ei[1]]  # target nodes (source_to_target flow)
    x_j = feats[ei[0]]  # source nodes
    m = jnp.concatenate([x_i, x_j, edge_attr], axis=-1)
    m = silu(_lin(p["e2"], silu(_lin(p["e1"], m))))  # edge_mlp
    m = _ln(m, p["ln_e1_g"], p["ln_e1_b"])  # edge_norm1
    m_i = jax.ops.segment_sum(m, ei[1], num_segments=feats.shape[0])  # aggr='add'
    m_i = _ln(m_i, p["ln_e2_g"], p["ln_e2_b"])  # edge_norm2
    hidden = _ln(feats, p["ln_n1_g"], p["ln_n1_b"])  # node_norm1
    ho = _lin(p["n2"], silu(_lin(p["n1"], jnp.concatenate([hidden, m_i], axis=-1))))  # node_mlp
    ho = _ln(ho, p["ln_n2_g"], p["ln_n2_b"])  # node_norm2
    ho = feats + ho  # residual
    return jnp.concatenate([coors, ho], axis=-1)


def reference(pos, props, atom_idx, residue_idx, edge_index, params):
    silu = jax.nn.silu
    feats = jnp.concatenate([
        params["atom_emb"][atom_idx],
        params["residue_emb"][residue_idx],
        _lin(params["prop_lin"], props),
    ], axis=-1)
    feats = _lin(params["pre2"], silu(_lin(params["pre1"], feats)))  # pre_egnn_mlp (dropout=identity in eval)
    x = jnp.concatenate([pos, feats], axis=-1)
    feat_list = []
    for kp in params["kernels"]:
        x = _egnn_sparse(x, edge_index, kp)
        feat_list.append(x[:, 3:])
    h = jnp.concatenate(feat_list, axis=-1)
    h = silu(_lin(params["post1"], h))
    h = silu(_lin(params["post2"], h))
    h = silu(_lin(params["post3"], h))
    return h

if __name__ == "__main__":
    import jax
    _d = setup_inputs()
    print(jax.jit(kernel)(*tuple(_d.values())))

</pallas_src>

<mosaic_0001>
#map = affine_map<(d0, d1) -> (0, 0)>
module attributes {stable_mosaic.version = 14 : i64} {
  func.func @body(%arg0: i32, %arg1: i32, %arg2: memref<10240x16xf32, #tpu.memory_space<hbm>>, %arg3: memref<2560x128xi32, #tpu.memory_space<hbm>>, %arg4: memref<327680x16xf32, #tpu.memory_space<hbm>>, %arg5: memref<80x128xi32, #tpu.memory_space<vmem>>, %arg6: memref<5x128x16xf32, #tpu.memory_space<vmem>>, %arg7: memref<5x!tpu.dma_semaphore, #tpu.memory_space<semaphore_mem>>) attributes {dimension_semantics = [#tpu.dimension_semantics<core_parallel>, #tpu.dimension_semantics<subcore_parallel>], iteration_bounds = array<i64: 2, 16>, scalar_prefetch = 0 : i64, scratch_operands = 3 : i64, tpu.core_type = #tpu.core_type<sc_vector_subcore>, window_params = [{transform_indices = #map}, {transform_indices = #map}, {transform_indices = #map}]} {
    %mul3A = arith.constant 2 : i32
    %mul3A_0 = arith.muli %arg1, %mul3A : i32
    %add3A = arith.addi %mul3A_0, %arg0 : i32
    %mul3A_1 = arith.constant 80 : i32
    %mul3A_2 = arith.muli %add3A, %mul3A_1 : i32
    "tpu.region"() ({
      %run_scoped3A = tpu.sem_alloc : memref<!tpu.dma_semaphore, #tpu.memory_space<semaphore_mem>>
      %dma_start3A = arith.constant 0 : i32
      %dma_start3A_8 = tpu.memref_slice %arg3[%mul3A_2, %dma_start3A] : memref<2560x128xi32, #tpu.memory_space<hbm>> -> memref<80x128xi32, #tpu.memory_space<hbm>>
      %dma_start3A_9 = arith.constant 0 : i32
      %dma_start3A_10 = tpu.memref_slice %arg3[%mul3A_2, %dma_start3A_9] : memref<2560x128xi32, #tpu.memory_space<hbm>> -> memref<80x128xi32, #tpu.memory_space<hbm>>
      tpu.enqueue_dma source(%dma_start3A_10 : memref<80x128xi32, #tpu.memory_space<hbm>>) target(%arg5 : memref<80x128xi32, #tpu.memory_space<vmem>>) target_semaphore(%run_scoped3A : memref<!tpu.dma_semaphore, #tpu.memory_space<semaphore_mem>>)
      %dma_wait3A = arith.constant 0 : i32
      %dma_wait3A_11 = tpu.memref_slice %arg3[%mul3A_2, %dma_wait3A] : memref<2560x128xi32, #tpu.memory_space<hbm>> -> memref<80x128xi32, #tpu.memory_space<hbm>>
      %dma_wait3A_12 = arith.constant 0 : i32
      %dma_wait3A_13 = tpu.memref_slice %arg3[%mul3A_2, %dma_wait3A_12] : memref<2560x128xi32, #tpu.memory_space<hbm>> -> memref<80x128xi32, #tpu.memory_space<hbm>>
      tpu.wait_dma2 semaphore(%run_scoped3A : memref<!tpu.dma_semaphore, #tpu.memory_space<semaphore_mem>>) src(%dma_wait3A_13 : memref<80x128xi32, #tpu.memory_space<hbm>>) dst(%arg5 : memref<80x128xi32, #tpu.memory_space<vmem>>)
      tpu.yield
    }) : () -> ()
    %scan3A = arith.constant 0 : i32
    %scan3A_3 = arith.constant 0 : i32
    %scan3A_4 = arith.constant 16 : i32
    %scan3A_5 = arith.addi %scan3A_3, %scan3A_4 : i32
    %scan3A_6 = arith.constant 1 : i32
    scf.for %scan3A_8 = %scan3A_3 to %scan3A_5 step %scan3A_6  : i32 {
      %mul3A_9 = arith.constant 80 : i32
      %mul3A_10 = arith.muli %add3A, %mul3A_9 : i32
      %mul3A_11 = arith.constant 5 : i32
      %mul3A_12 = arith.muli %scan3A_8, %mul3A_11 : i32
      %add3A_13 = arith.addi %mul3A_10, %mul3A_12 : i32
      %mul3A_14 = arith.constant 5 : i32
      %mul3A_15 = arith.muli %scan3A_8, %mul3A_14 : i32
      %add3A_16 = arith.constant 0 : i32
      %add3A_17 = arith.addi %mul3A_15, %add3A_16 : i32
      %dma_start3A = arith.constant 0 : i32
      %dma_start3A_18 = arith.constant 0 : i32
      %dma_start3A_19 = arith.constant 0 : i32
      %dma_start3A_20 = arith.constant 0 : i32
      %dma_start3A_21 = tpu.memref_slice %arg6[%dma_start3A, %dma_start3A_19, %dma_start3A_20] : memref<5x128x16xf32, #tpu.memory_space<vmem>> -> memref<1x128x16xf32, #tpu.memory_space<vmem>>
      %dma_start3A_22 = tpu.memref_squeeze %dma_start3A_21 : memref<1x128x16xf32, #tpu.memory_space<vmem>> -> memref<128x16xf32, #tpu.memory_space<vmem>>
      %dma_start3A_23 = arith.constant 0 : i32
      %dma_start3A_24 = tpu.memref_slice %arg5[%add3A_17, %dma_start3A_23] : memref<80x128xi32, #tpu.memory_space<vmem>> -> memref<1x128xi32, #tpu.memory_space<vmem>>
      %dma_start3A_25 = tpu.memref_squeeze %dma_start3A_24 : memref<1x128xi32, #tpu.memory_space<vmem>> -> memref<128xi32, #tpu.memory_space<vmem>>
      %dma_start3A_26 = arith.constant 0 : i32
      %dma_start3A_27 = arith.constant 0 : i32
      %dma_start3A_28 = tpu.memref_slice %arg2[%dma_start3A_26, %dma_start3A_27] : memref<10240x16xf32, #tpu.memory_space<hbm>> -> memref<10240x16xf32, #tpu.memory_space<hbm>>
      %dma_start3A_29 = tpu.memref_slice %arg7[%dma_start3A_18] : memref<5x!tpu.dma_semaphore, #tpu.memory_space<semaphore_mem>> -> memref<1x!tpu.dma_semaphore, #tpu.memory_space<semaphore_mem>>
      %dma_start3A_30 = tpu.memref_squeeze %dma_start3A_29 : memref<1x!tpu.dma_semaphore, #tpu.memory_space<semaphore_mem>> -> memref<!tpu.dma_semaphore, #tpu.memory_space<semaphore_mem>>
      tpu.enqueue_indirect_dma source(%dma_start3A_28 : memref<10240x16xf32, #tpu.memory_space<hbm>>) target(%dma_start3A_22 : memref<128x16xf32, #tpu.memory_space<vmem>>) offsets(%dma_start3A_25 : memref<128xi32, #tpu.memory_space<vmem>>) semaphore(%dma_start3A_30 : memref<!tpu.dma_semaphore, #tpu.memory_space<semaphore_mem>>)
      %mul3A_31 = arith.constant 5 : i32
      %mul3A_32 = arith.muli %scan3A_8, %mul3A_31 : i32
      %add3A_33 = arith.constant 1 : i32
      %add3A_34 = arith.addi %mul3A_32, %add3A_33 : i32
      %dma_start3A_35 = arith.constant 1 : i32
      %dma_start3A_36 = arith.constant 1 : i32
      %dma_start3A_37 = arith.constant 0 : i32
      %dma_start3A_38 = arith.constant 0 : i32
      %dma_start3A_39 = tpu.memref_slice %arg6[%dma_start3A_35, %dma_start3A_37, %dma_start3A_38] : memref<5x128x16xf32, #tpu.memory_space<vmem>> -> memref<1x128x16xf32, #tpu.memory_space<vmem>>
      %dma_start3A_40 = tpu.memref_squeeze %dma_start3A_39 : memref<1x128x16xf32, #tpu.memory_space<vmem>> -> memref<128x16xf32, #tpu.memory_space<vmem>>
      %dma_start3A_41 = arith.constant 0 : i32
      %dma_start3A_42 = tpu.memref_slice %arg5[%add3A_34, %dma_start3A_41] : memref<80x128xi32, #tpu.memory_space<vmem>> -> memref<1x128xi32, #tpu.memory_space<vmem>>
      %dma_start3A_43 = tpu.memref_squeeze %dma_start3A_42 : memref<1x128xi32, #tpu.memory_space<vmem>> -> memref<128xi32, #tpu.memory_space<vmem>>
      %dma_start3A_44 = arith.constant 0 : i32
      %dma_start3A_45 = arith.constant 0 : i32
      %dma_start3A_46 = tpu.memref_slice %arg2[%dma_start3A_44, %dma_start3A_45] : memref<10240x16xf32, #tpu.memory_space<hbm>> -> memref<10240x16xf32, #tpu.memory_space<hbm>>
      %dma_start3A_47 = tpu.memref_slice %arg7[%dma_start3A_36] : memref<5x!tpu.dma_semaphore, #tpu.memory_space<semaphore_mem>> -> memref<1x!tpu.dma_semaphore, #tpu.memory_space<semaphore_mem>>
      %dma_start3A_48 = tpu.memref_squeeze %dma_start3A_47 : memref<1x!tpu.dma_semaphore, #tpu.memory_space<semaphore_mem>> -> memref<!tpu.dma_semaphore, #tpu.memory_space<semaphore_mem>>
      tpu.enqueue_indirect_dma source(%dma_start3A_46 : memref<10240x16xf32, #tpu.memory_space<hbm>>) target(%dma_start3A_40 : memref<128x16xf32, #tpu.memory_space<vmem>>) offsets(%dma_start3A_43 : memref<128xi32, #tpu.memory_space<vmem>>) semaphore(%dma_start3A_48 : memref<!tpu.dma_semaphore, #tpu.memory_space<semaphore_mem>>)
      %mul3A_49 = arith.constant 5 : i32
      %mul3A_50 = arith.muli %scan3A_8, %mul3A_49 : i32
      %add3A_51 = arith.constant 2 : i32
      %add3A_52 = arith.addi %mul3A_50, %add3A_51 : i32
      %dma_start3A_53 = arith.constant 2 : i32
      %dma_start3A_54 = arith.constant 2 : i32
      %dma_start3A_55 = arith.constant 0 : i32
      %dma_start3A_56 = arith.constant 0 : i32
      %dma_start3A_57 = tpu.memref_slice %arg6[%dma_start3A_53, %dma_start3A_55, %dma_start3A_56] : memref<5x128x16xf32, #tpu.memory_space<vmem>> -> memref<1x128x16xf32, #tpu.memory_space<vmem>>
      %dma_start3A_58 = tpu.memref_squeeze %dma_start3A_57 : memref<1x128x16xf32, #tpu.memory_space<vmem>> -> memref<128x16xf32, #tpu.memory_space<vmem>>
      %dma_start3A_59 = arith.constant 0 : i32
      %dma_start3A_60 = tpu.memref_slice %arg5[%add3A_52, %dma_start3A_59] : memref<80x128xi32, #tpu.memory_space<vmem>> -> memref<1x128xi32, #tpu.memory_space<vmem>>
      %dma_start3A_61 = tpu.memref_squeeze %dma_start3A_60 : memref<1x128xi32, #tpu.memory_space<vmem>> -> memref<128xi32, #tpu.memory_space<vmem>>
      %dma_start3A_62 = arith.constant 0 : i32
      %dma_start3A_63 = arith.constant 0 : i32
      %dma_start3A_64 = tpu.memref_slice %arg2[%dma_start3A_62, %dma_start3A_63] : memref<10240x16xf32, #tpu.memory_space<hbm>> -> memref<10240x16xf32, #tpu.memory_space<hbm>>
      %dma_start3A_65 = tpu.memref_slice %arg7[%dma_start3A_54] : memref<5x!tpu.dma_semaphore, #tpu.memory_space<semaphore_mem>> -> memref<1x!tpu.dma_semaphore, #tpu.memory_space<semaphore_mem>>
      %dma_start3A_66 = tpu.memref_squeeze %dma_start3A_65 : memref<1x!tpu.dma_semaphore, #tpu.memory_space<semaphore_mem>> -> memref<!tpu.dma_semaphore, #tpu.memory_space<semaphore_mem>>
      tpu.enqueue_indirect_dma source(%dma_start3A_64 : memref<10240x16xf32, #tpu.memory_space<hbm>>) target(%dma_start3A_58 : memref<128x16xf32, #tpu.memory_space<vmem>>) offsets(%dma_start3A_61 : memref<128xi32, #tpu.memory_space<vmem>>) semaphore(%dma_start3A_66 : memref<!tpu.dma_semaphore, #tpu.memory_space<semaphore_mem>>)
      %mul3A_67 = arith.constant 5 : i32
      %mul3A_68 = arith.muli %scan3A_8, %mul3A_67 : i32
      %add3A_69 = arith.constant 3 : i32
      %add3A_70 = arith.addi %mul3A_68, %add3A_69 : i32
      %dma_start3A_71 = arith.constant 3 : i32
      %dma_start3A_72 = arith.constant 3 : i32
      %dma_start3A_73 = arith.constant 0 : i32
      %dma_start3A_74 = arith.constant 0 : i32
      %dma_start3A_75 = tpu.memref_slice %arg6[%dma_start3A_71, %dma_start3A_73, %dma_start3A_74] : memref<5x128x16xf32, #tpu.memory_space<vmem>> -> memref<1x128x16xf32, #tpu.memory_space<vmem>>
      %dma_start3A_76 = tpu.memref_squeeze %dma_start3A_75 : memref<1x128x16xf32, #tpu.memory_space<vmem>> -> memref<128x16xf32, #tpu.memory_space<vmem>>
      %dma_start3A_77 = arith.constant 0 : i32
      %dma_start3A_78 = tpu.memref_slice %arg5[%add3A_70, %dma_start3A_77] : memref<80x128xi32, #tpu.memory_space<vmem>> -> memref<1x128xi32, #tpu.memory_space<vmem>>
      %dma_start3A_79 = tpu.memref_squeeze %dma_start3A_78 : memref<1x128xi32, #tpu.memory_space<vmem>> -> memref<128xi32, #tpu.memory_space<vmem>>
      %dma_start3A_80 = arith.constant 0 : i32
      %dma_start3A_81 = arith.constant 0 : i32
      %dma_start3A_82 = tpu.memref_slice %arg2[%dma_start3A_80, %dma_start3A_81] : memref<10240x16xf32, #tpu.memory_space<hbm>> -> memref<10240x16xf32, #tpu.memory_space<hbm>>
      %dma_start3A_83 = tpu.memref_slice %arg7[%dma_start3A_72] : memref<5x!tpu.dma_semaphore, #tpu.memory_space<semaphore_mem>> -> memref<1x!tpu.dma_semaphore, #tpu.memory_space<semaphore_mem>>
      %dma_start3A_84 = tpu.memref_squeeze %dma_start3A_83 : memref<1x!tpu.dma_semaphore, #tpu.memory_space<semaphore_mem>> -> memref<!tpu.dma_semaphore, #tpu.memory_space<semaphore_mem>>
      tpu.enqueue_indirect_dma source(%dma_start3A_82 : memref<10240x16xf32, #tpu.memory_space<hbm>>) target(%dma_start3A_76 : memref<128x16xf32, #tpu.memory_space<vmem>>) offsets(%dma_start3A_79 : memref<128xi32, #tpu.memory_space<vmem>>) semaphore(%dma_start3A_84 : memref<!tpu.dma_semaphore, #tpu.memory_space<semaphore_mem>>)
      %mul3A_85 = arith.constant 5 : i32
      %mul3A_86 = arith.muli %scan3A_8, %mul3A_85 : i32
      %add3A_87 = arith.constant 4 : i32
      %add3A_88 = arith.addi %mul3A_86, %add3A_87 : i32
      %dma_start3A_89 = arith.constant 4 : i32
      %dma_start3A_90 = arith.constant 4 : i32
      %dma_start3A_91 = arith.constant 0 : i32
      %dma_start3A_92 = arith.constant 0 : i32
      %dma_start3A_93 = tpu.memref_slice %arg6[%dma_start3A_89, %dma_start3A_91, %dma_start3A_92] : memref<5x128x16xf32, #tpu.memory_space<vmem>> -> memref<1x128x16xf32, #tpu.memory_space<vmem>>
      %dma_start3A_94 = tpu.memref_squeeze %dma_start3A_93 : memref<1x128x16xf32, #tpu.memory_space<vmem>> -> memref<128x16xf32, #tpu.memory_space<vmem>>
      %dma_start3A_95 = arith.constant 0 : i32
      %dma_start3A_96 = tpu.memref_slice %arg5[%add3A_88, %dma_start3A_95] : memref<80x128xi32, #tpu.memory_space<vmem>> -> memref<1x128xi32, #tpu.memory_space<vmem>>
      %dma_start3A_97 = tpu.memref_squeeze %dma_start3A_96 : memref<1x128xi32, #tpu.memory_space<vmem>> -> memref<128xi32, #tpu.memory_space<vmem>>
      %dma_start3A_98 = arith.constant 0 : i32
      %dma_start3A_99 = arith.constant 0 : i32
      %dma_start3A_100 = tpu.memref_slice %arg2[%dma_start3A_98, %dma_start3A_99] : memref<10240x16xf32, #tpu.memory_space<hbm>> -> memref<10240x16xf32, #tpu.memory_space<hbm>>
      %dma_start3A_101 = tpu.memref_slice %arg7[%dma_start3A_90] : memref<5x!tpu.dma_semaphore, #tpu.memory_space<semaphore_mem>> -> memref<1x!tpu.dma_semaphore, #tpu.memory_space<semaphore_mem>>
      %dma_start3A_102 = tpu.memref_squeeze %dma_start3A_101 : memref<1x!tpu.dma_semaphore, #tpu.memory_space<semaphore_mem>> -> memref<!tpu.dma_semaphore, #tpu.memory_space<semaphore_mem>>
      tpu.enqueue_indirect_dma source(%dma_start3A_100 : memref<10240x16xf32, #tpu.memory_space<hbm>>) target(%dma_start3A_94 : memref<128x16xf32, #tpu.memory_space<vmem>>) offsets(%dma_start3A_97 : memref<128xi32, #tpu.memory_space<vmem>>) semaphore(%dma_start3A_102 : memref<!tpu.dma_semaphore, #tpu.memory_space<semaphore_mem>>)
      %dma_wait3A = arith.constant 0 : i32
      %dma_wait3A_103 = arith.constant 0 : i32
      %dma_wait3A_104 = arith.constant 0 : i32
      %dma_wait3A_105 = arith.constant 0 : i32
      %dma_wait3A_106 = tpu.memref_slice %arg6[%dma_wait3A, %dma_wait3A_104, %dma_wait3A_105] : memref<5x128x16xf32, #tpu.memory_space<vmem>> -> memref<1x128x16xf32, #tpu.memory_space<vmem>>
      %dma_wait3A_107 = tpu.memref_squeeze %dma_wait3A_106 : memref<1x128x16xf32, #tpu.memory_space<vmem>> -> memref<128x16xf32, #tpu.memory_space<vmem>>
      %dma_wait3A_108 = arith.constant 0 : i32
      %dma_wait3A_109 = tpu.memref_slice %arg5[%add3A_17, %dma_wait3A_108] : memref<80x128xi32, #tpu.memory_space<vmem>> -> memref<1x128xi32, #tpu.memory_space<vmem>>
      %dma_wait3A_110 = tpu.memref_squeeze %dma_wait3A_109 : memref<1x128xi32, #tpu.memory_space<vmem>> -> memref<128xi32, #tpu.memory_space<vmem>>
      %dma_wait3A_111 = arith.constant 0 : i32
      %dma_wait3A_112 = arith.constant 0 : i32
      %dma_wait3A_113 = tpu.memref_slice %arg2[%dma_wait3A_111, %dma_wait3A_112] : memref<10240x16xf32, #tpu.memory_space<hbm>> -> memref<10240x16xf32, #tpu.memory_space<hbm>>
      %dma_wait3A_114 = tpu.memref_slice %arg7[%dma_wait3A_103] : memref<5x!tpu.dma_semaphore, #tpu.memory_space<semaphore_mem>> -> memref<1x!tpu.dma_semaphore, #tpu.memory_space<semaphore_mem>>
      %dma_wait3A_115 = tpu.memref_squeeze %dma_wait3A_114 : memref<1x!tpu.dma_semaphore, #tpu.memory_space<semaphore_mem>> -> memref<!tpu.dma_semaphore, #tpu.memory_space<semaphore_mem>>
      tpu.wait_indirect_dma semaphore(%dma_wait3A_115 : memref<!tpu.dma_semaphore, #tpu.memory_space<semaphore_mem>>) src(%dma_wait3A_113 : memref<10240x16xf32, #tpu.memory_space<hbm>>) dst(%dma_wait3A_107 : memref<128x16xf32, #tpu.memory_space<vmem>>)
      %add3A_116 = arith.constant 0 : i32
      %add3A_117 = arith.addi %add3A_13, %add3A_116 : i32
      %mul3A_118 = arith.constant 128 : i32
      %mul3A_119 = arith.muli %add3A_117, %mul3A_118 : i32
      %run_scoped3A = arith.constant 0 : i32
      "tpu.region"() ({
        %run_scoped3A_196 = tpu.sem_alloc : memref<!tpu.dma_semaphore, #tpu.memory_space<semaphore_mem>>
        %dma_start3A_197 = arith.constant 0 : i32
        %dma_start3A_198 = arith.constant 0 : i32
        %dma_start3A_199 = tpu.memref_slice %arg6[%run_scoped3A, %dma_start3A_197, %dma_start3A_198] : memref<5x128x16xf32, #tpu.memory_space<vmem>> -> memref<1x128x16xf32, #tpu.memory_space<vmem>>
        %dma_start3A_200 = tpu.memref_squeeze %dma_start3A_199 : memref<1x128x16xf32, #tpu.memory_space<vmem>> -> memref<128x16xf32, #tpu.memory_space<vmem>>
        %dma_start3A_201 = arith.constant 0 : i32
        %dma_start3A_202 = tpu.memref_slice %arg4[%mul3A_119, %dma_start3A_201] : memref<327680x16xf32, #tpu.memory_space<hbm>> -> memref<128x16xf32, #tpu.memory_space<hbm>>
        %dma_start3A_203 = arith.constant 0 : i32
        %dma_start3A_204 = tpu.memref_slice %arg4[%mul3A_119, %dma_start3A_203] : memref<327680x16xf32, #tpu.memory_space<hbm>> -> memref<128x16xf32, #tpu.memory_space<hbm>>
        %dma_start3A_205 = arith.constant 0 : i32
        %dma_start3A_206 = arith.constant 0 : i32
        %dma_start3A_207 = tpu.memref_slice %arg6[%run_scoped3A, %dma_start3A_205, %dma_start3A_206] : memref<5x128x16xf32, #tpu.memory_space<vmem>> -> memref<1x128x16xf32, #tpu.memory_space<vmem>>
        %dma_start3A_208 = tpu.memref_squeeze %dma_start3A_207 : memref<1x128x16xf32, #tpu.memory_space<vmem>> -> memref<128x16xf32, #tpu.memory_space<vmem>>
        tpu.enqueue_dma source(%dma_start3A_208 : memref<128x16xf32, #tpu.memory_space<vmem>>) target(%dma_start3A_204 : memref<128x16xf32, #tpu.memory_space<hbm>>) target_semaphore(%run_scoped3A_196 : memref<!tpu.dma_semaphore, #tpu.memory_space<semaphore_mem>>)
        %dma_wait3A_209 = arith.constant 0 : i32
        %dma_wait3A_210 = arith.constant 0 : i32
        %dma_wait3A_211 = tpu.memref_slice %arg6[%run_scoped3A, %dma_wait3A_209, %dma_wait3A_210] : memref<5x128x16xf32, #tpu.memory_space<vmem>> -> memref<1x128x16xf32, #tpu.memory_space<vmem>>
        %dma_wait3A_212 = tpu.memref_squeeze %dma_wait3A_211 : memref<1x128x16xf32, #tpu.memory_space<vmem>> -> memref<128x16xf32, #tpu.memory_space<vmem>>
        %dma_wait3A_213 = arith.constant 0 : i32
        %dma_wait3A_214 = tpu.memref_slice %arg4[%mul3A_119, %dma_wait3A_213] : memref<327680x16xf32, #tpu.memory_space<hbm>> -> memref<128x16xf32, #tpu.memory_space<hbm>>
        %dma_wait3A_215 = arith.constant 0 : i32
        %dma_wait3A_216 = tpu.memref_slice %arg4[%mul3A_119, %dma_wait3A_215] : memref<327680x16xf32, #tpu.memory_space<hbm>> -> memref<128x16xf32, #tpu.memory_space<hbm>>
        %dma_wait3A_217 = arith.constant 0 : i32
        %dma_wait3A_218 = arith.constant 0 : i32
        %dma_wait3A_219 = tpu.memref_slice %arg6[%run_scoped3A, %dma_wait3A_217, %dma_wait3A_218] : memref<5x128x16xf32, #tpu.memory_space<vmem>> -> memref<1x128x16xf32, #tpu.memory_space<vmem>>
        %dma_wait3A_220 = tpu.memref_squeeze %dma_wait3A_219 : memref<1x128x16xf32, #tpu.memory_space<vmem>> -> memref<128x16xf32, #tpu.memory_space<vmem>>
        tpu.wait_dma2 semaphore(%run_scoped3A_196 : memref<!tpu.dma_semaphore, #tpu.memory_space<semaphore_mem>>) src(%dma_wait3A_220 : memref<128x16xf32, #tpu.memory_space<vmem>>) dst(%dma_wait3A_216 : memref<128x16xf32, #tpu.memory_space<hbm>>)
        tpu.yield
      }) : () -> ()
      %dma_wait3A_120 = arith.constant 1 : i32
      %dma_wait3A_121 = arith.constant 1 : i32
      %dma_wait3A_122 = arith.constant 0 : i32
      %dma_wait3A_123 = arith.constant 0 : i32
      %dma_wait3A_124 = tpu.memref_slice %arg6[%dma_wait3A_120, %dma_wait3A_122, %dma_wait3A_123] : memref<5x128x16xf32, #tpu.memory_space<vmem>> -> memref<1x128x16xf32, #tpu.memory_space<vmem>>
      %dma_wait3A_125 = tpu.memref_squeeze %dma_wait3A_124 : memref<1x128x16xf32, #tpu.memory_space<vmem>> -> memref<128x16xf32, #tpu.memory_space<vmem>>
      %dma_wait3A_126 = arith.constant 0 : i32
      %dma_wait3A_127 = tpu.memref_slice %arg5[%add3A_34, %dma_wait3A_126] : memref<80x128xi32, #tpu.memory_space<vmem>> -> memref<1x128xi32, #tpu.memory_space<vmem>>
      %dma_wait3A_128 = tpu.memref_squeeze %dma_wait3A_127 : memref<1x128xi32, #tpu.memory_space<vmem>> -> memref<128xi32, #tpu.memory_space<vmem>>
      %dma_wait3A_129 = arith.constant 0 : i32
      %dma_wait3A_130 = arith.constant 0 : i32
      %dma_wait3A_131 = tpu.memref_slice %arg2[%dma_wait3A_129, %dma_wait3A_130] : memref<10240x16xf32, #tpu.memory_space<hbm>> -> memref<10240x16xf32, #tpu.memory_space<hbm>>
      %dma_wait3A_132 = tpu.memref_slice %arg7[%dma_wait3A_121] : memref<5x!tpu.dma_semaphore, #tpu.memory_space<semaphore_mem>> -> memref<1x!tpu.dma_semaphore, #tpu.memory_space<semaphore_mem>>
      %dma_wait3A_133 = tpu.memref_squeeze %dma_wait3A_132 : memref<1x!tpu.dma_semaphore, #tpu.memory_space<semaphore_mem>> -> memref<!tpu.dma_semaphore, #tpu.memory_space<semaphore_mem>>
      tpu.wait_indirect_dma semaphore(%dma_wait3A_133 : memref<!tpu.dma_semaphore, #tpu.memory_space<semaphore_mem>>) src(%dma_wait3A_131 : memref<10240x16xf32, #tpu.memory_space<hbm>>) dst(%dma_wait3A_125 : memref<128x16xf32, #tpu.memory_space<vmem>>)
      %add3A_134 = arith.constant 1 : i32
      %add3A_135 = arith.addi %add3A_13, %add3A_134 : i32
      %mul3A_136 = arith.constant 128 : i32
      %mul3A_137 = arith.muli %add3A_135, %mul3A_136 : i32
      %run_scoped3A_138 = arith.constant 1 : i32
      "tpu.region"() ({
        %run_scoped3A_196 = tpu.sem_alloc : memref<!tpu.dma_semaphore, #tpu.memory_space<semaphore_mem>>
        %dma_start3A_197 = arith.constant 0 : i32
        %dma_start3A_198 = arith.constant 0 : i32
        %dma_start3A_199 = tpu.memref_slice %arg6[%run_scoped3A_138, %dma_start3A_197, %dma_start3A_198] : memref<5x128x16xf32, #tpu.memory_space<vmem>> -> memref<1x128x16xf32, #tpu.memory_space<vmem>>
        %dma_start3A_200 = tpu.memref_squeeze %dma_start3A_199 : memref<1x128x16xf32, #tpu.memory_space<vmem>> -> memref<128x16xf32, #tpu.memory_space<vmem>>
        %dma_start3A_201 = arith.constant 0 : i32
        %dma_start3A_202 = tpu.memref_slice %arg4[%mul3A_137, %dma_start3A_201] : memref<327680x16xf32, #tpu.memory_space<hbm>> -> memref<128x16xf32, #tpu.memory_space<hbm>>
        %dma_start3A_203 = arith.constant 0 : i32
        %dma_start3A_204 = tpu.memref_slice %arg4[%mul3A_137, %dma_start3A_203] : memref<327680x16xf32, #tpu.memory_space<hbm>> -> memref<128x16xf32, #tpu.memory_space<hbm>>
        %dma_start3A_205 = arith.constant 0 : i32
        %dma_start3A_206 = arith.constant 0 : i32
        %dma_start3A_207 = tpu.memref_slice %arg6[%run_scoped3A_138, %dma_start3A_205, %dma_start3A_206] : memref<5x128x16xf32, #tpu.memory_space<vmem>> -> memref<1x128x16xf32, #tpu.memory_space<vmem>>
        %dma_start3A_208 = tpu.memref_squeeze %dma_start3A_207 : memref<1x128x16xf32, #tpu.memory_space<vmem>> -> memref<128x16xf32, #tpu.memory_space<vmem>>
        tpu.enqueue_dma source(%dma_start3A_208 : memref<128x16xf32, #tpu.memory_space<vmem>>) target(%dma_start3A_204 : memref<128x16xf32, #tpu.memory_space<hbm>>) target_semaphore(%run_scoped3A_196 : memref<!tpu.dma_semaphore, #tpu.memory_space<semaphore_mem>>)
        %dma_wait3A_209 = arith.constant 0 : i32
        %dma_wait3A_210 = arith.constant 0 : i32
        %dma_wait3A_211 = tpu.memref_slice %arg6[%run_scoped3A_138, %dma_wait3A_209, %dma_wait3A_210] : memref<5x128x16xf32, #tpu.memory_space<vmem>> -> memref<1x128x16xf32, #tpu.memory_space<vmem>>
        %dma_wait3A_212 = tpu.memref_squeeze %dma_wait3A_211 : memref<1x128x16xf32, #tpu.memory_space<vmem>> -> memref<128x16xf32, #tpu.memory_space<vmem>>
        %dma_wait3A_213 = arith.constant 0 : i32
        %dma_wait3A_214 = tpu.memref_slice %arg4[%mul3A_137, %dma_wait3A_213] : memref<327680x16xf32, #tpu.memory_space<hbm>> -> memref<128x16xf32, #tpu.memory_space<hbm>>
        %dma_wait3A_215 = arith.constant 0 : i32
        %dma_wait3A_216 = tpu.memref_slice %arg4[%mul3A_137, %dma_wait3A_215] : memref<327680x16xf32, #tpu.memory_space<hbm>> -> memref<128x16xf32, #tpu.memory_space<hbm>>
        %dma_wait3A_217 = arith.constant 0 : i32
        %dma_wait3A_218 = arith.constant 0 : i32
        %dma_wait3A_219 = tpu.memref_slice %arg6[%run_scoped3A_138, %dma_wait3A_217, %dma_wait3A_218] : memref<5x128x16xf32, #tpu.memory_space<vmem>> -> memref<1x128x16xf32, #tpu.memory_space<vmem>>
        %dma_wait3A_220 = tpu.memref_squeeze %dma_wait3A_219 : memref<1x128x16xf32, #tpu.memory_space<vmem>> -> memref<128x16xf32, #tpu.memory_space<vmem>>
        tpu.wait_dma2 semaphore(%run_scoped3A_196 : memref<!tpu.dma_semaphore, #tpu.memory_space<semaphore_mem>>) src(%dma_wait3A_220 : memref<128x16xf32, #tpu.memory_space<vmem>>) dst(%dma_wait3A_216 : memref<128x16xf32, #tpu.memory_space<hbm>>)
        tpu.yield
      }) : () -> ()
      %dma_wait3A_139 = arith.constant 2 : i32
      %dma_wait3A_140 = arith.constant 2 : i32
      %dma_wait3A_141 = arith.constant 0 : i32
      %dma_wait3A_142 = arith.constant 0 : i32
      %dma_wait3A_143 = tpu.memref_slice %arg6[%dma_wait3A_139, %dma_wait3A_141, %dma_wait3A_142] : memref<5x128x16xf32, #tpu.memory_space<vmem>> -> memref<1x128x16xf32, #tpu.memory_space<vmem>>
      %dma_wait3A_144 = tpu.memref_squeeze %dma_wait3A_143 : memref<1x128x16xf32, #tpu.memory_space<vmem>> -> memref<128x16xf32, #tpu.memory_space<vmem>>
      %dma_wait3A_145 = arith.constant 0 : i32
      %dma_wait3A_146 = tpu.memref_slice %arg5[%add3A_52, %dma_wait3A_145] : memref<80x128xi32, #tpu.memory_space<vmem>> -> memref<1x128xi32, #tpu.memory_space<vmem>>
      %dma_wait3A_147 = tpu.memref_squeeze %dma_wait3A_146 : memref<1x128xi32, #tpu.memory_space<vmem>> -> memref<128xi32, #tpu.memory_space<vmem>>
      %dma_wait3A_148 = arith.constant 0 : i32
      %dma_wait3A_149 = arith.constant 0 : i32
      %dma_wait3A_150 = tpu.memref_slice %arg2[%dma_wait3A_148, %dma_wait3A_149] : memref<10240x16xf32, #tpu.memory_space<hbm>> -> memref<10240x16xf32, #tpu.memory_space<hbm>>
      %dma_wait3A_151 = tpu.memref_slice %arg7[%dma_wait3A_140] : memref<5x!tpu.dma_semaphore, #tpu.memory_space<semaphore_mem>> -> memref<1x!tpu.dma_semaphore, #tpu.memory_space<semaphore_mem>>
      %dma_wait3A_152 = tpu.memref_squeeze %dma_wait3A_151 : memref<1x!tpu.dma_semaphore, #tpu.memory_space<semaphore_mem>> -> memref<!tpu.dma_semaphore, #tpu.memory_space<semaphore_mem>>
      tpu.wait_indirect_dma semaphore(%dma_wait3A_152 : memref<!tpu.dma_semaphore, #tpu.memory_space<semaphore_mem>>) src(%dma_wait3A_150 : memref<10240x16xf32, #tpu.memory_space<hbm>>) dst(%dma_wait3A_144 : memref<128x16xf32, #tpu.memory_space<vmem>>)
      %add3A_153 = arith.constant 2 : i32
      %add3A_154 = arith.addi %add3A_13, %add3A_153 : i32
      %mul3A_155 = arith.constant 128 : i32
      %mul3A_156 = arith.muli %add3A_154, %mul3A_155 : i32
      %run_scoped3A_157 = arith.constant 2 : i32
      "tpu.region"() ({
        %run_scoped3A_196 = tpu.sem_alloc : memref<!tpu.dma_semaphore, #tpu.memory_space<semaphore_mem>>
        %dma_start3A_197 = arith.constant 0 : i32
        %dma_start3A_198 = arith.constant 0 : i32
        %dma_start3A_199 = tpu.memref_slice %arg6[%run_scoped3A_157, %dma_start3A_197, %dma_start3A_198] : memref<5x128x16xf32, #tpu.memory_space<vmem>> -> memref<1x128x16xf32, #tpu.memory_space<vmem>>
        %dma_start3A_200 = tpu.memref_squeeze %dma_start3A_199 : memref<1x128x16xf32, #tpu.memory_space<vmem>> -> memref<128x16xf32, #tpu.memory_space<vmem>>
        %dma_start3A_201 = arith.constant 0 : i32
        %dma_start3A_202 = tpu.memref_slice %arg4[%mul3A_156, %dma_start3A_201] : memref<327680x16xf32, #tpu.memory_space<hbm>> -> memref<128x16xf32, #tpu.memory_space<hbm>>
        %dma_start3A_203 = arith.constant 0 : i32
        %dma_start3A_204 = tpu.memref_slice %arg4[%mul3A_156, %dma_start3A_203] : memref<327680x16xf32, #tpu.memory_space<hbm>> -> memref<128x16xf32, #tpu.memory_space<hbm>>
        %dma_start3A_205 = arith.constant 0 : i32
        %dma_start3A_206 = arith.constant 0 : i32
        %dma_start3A_207 = tpu.memref_slice %arg6[%run_scoped3A_157, %dma_start3A_205, %dma_start3A_206] : memref<5x128x16xf32, #tpu.memory_space<vmem>> -> memref<1x128x16xf32, #tpu.memory_space<vmem>>
        %dma_start3A_208 = tpu.memref_squeeze %dma_start3A_207 : memref<1x128x16xf32, #tpu.memory_space<vmem>> -> memref<128x16xf32, #tpu.memory_space<vmem>>
        tpu.enqueue_dma source(%dma_start3A_208 : memref<128x16xf32, #tpu.memory_space<vmem>>) target(%dma_start3A_204 : memref<128x16xf32, #tpu.memory_space<hbm>>) target_semaphore(%run_scoped3A_196 : memref<!tpu.dma_semaphore, #tpu.memory_space<semaphore_mem>>)
        %dma_wait3A_209 = arith.constant 0 : i32
        %dma_wait3A_210 = arith.constant 0 : i32
        %dma_wait3A_211 = tpu.memref_slice %arg6[%run_scoped3A_157, %dma_wait3A_209, %dma_wait3A_210] : memref<5x128x16xf32, #tpu.memory_space<vmem>> -> memref<1x128x16xf32, #tpu.memory_space<vmem>>
        %dma_wait3A_212 = tpu.memref_squeeze %dma_wait3A_211 : memref<1x128x16xf32, #tpu.memory_space<vmem>> -> memref<128x16xf32, #tpu.memory_space<vmem>>
        %dma_wait3A_213 = arith.constant 0 : i32
        %dma_wait3A_214 = tpu.memref_slice %arg4[%mul3A_156, %dma_wait3A_213] : memref<327680x16xf32, #tpu.memory_space<hbm>> -> memref<128x16xf32, #tpu.memory_space<hbm>>
        %dma_wait3A_215 = arith.constant 0 : i32
        %dma_wait3A_216 = tpu.memref_slice %arg4[%mul3A_156, %dma_wait3A_215] : memref<327680x16xf32, #tpu.memory_space<hbm>> -> memref<128x16xf32, #tpu.memory_space<hbm>>
        %dma_wait3A_217 = arith.constant 0 : i32
        %dma_wait3A_218 = arith.constant 0 : i32
        %dma_wait3A_219 = tpu.memref_slice %arg6[%run_scoped3A_157, %dma_wait3A_217, %dma_wait3A_218] : memref<5x128x16xf32, #tpu.memory_space<vmem>> -> memref<1x128x16xf32, #tpu.memory_space<vmem>>
        %dma_wait3A_220 = tpu.memref_squeeze %dma_wait3A_219 : memref<1x128x16xf32, #tpu.memory_space<vmem>> -> memref<128x16xf32, #tpu.memory_space<vmem>>
        tpu.wait_dma2 semaphore(%run_scoped3A_196 : memref<!tpu.dma_semaphore, #tpu.memory_space<semaphore_mem>>) src(%dma_wait3A_220 : memref<128x16xf32, #tpu.memory_space<vmem>>) dst(%dma_wait3A_216 : memref<128x16xf32, #tpu.memory_space<hbm>>)
        tpu.yield
      }) : () -> ()
      %dma_wait3A_158 = arith.constant 3 : i32
      %dma_wait3A_159 = arith.constant 3 : i32
      %dma_wait3A_160 = arith.constant 0 : i32
      %dma_wait3A_161 = arith.constant 0 : i32
      %dma_wait3A_162 = tpu.memref_slice %arg6[%dma_wait3A_158, %dma_wait3A_160, %dma_wait3A_161] : memref<5x128x16xf32, #tpu.memory_space<vmem>> -> memref<1x128x16xf32, #tpu.memory_space<vmem>>
      %dma_wait3A_163 = tpu.memref_squeeze %dma_wait3A_162 : memref<1x128x16xf32, #tpu.memory_space<vmem>> -> memref<128x16xf32, #tpu.memory_space<vmem>>
      %dma_wait3A_164 = arith.constant 0 : i32
      %dma_wait3A_165 = tpu.memref_slice %arg5[%add3A_70, %dma_wait3A_164] : memref<80x128xi32, #tpu.memory_space<vmem>> -> memref<1x128xi32, #tpu.memory_space<vmem>>
      %dma_wait3A_166 = tpu.memref_squeeze %dma_wait3A_165 : memref<1x128xi32, #tpu.memory_space<vmem>> -> memref<128xi32, #tpu.memory_space<vmem>>
      %dma_wait3A_167 = arith.constant 0 : i32
      %dma_wait3A_168 = arith.constant 0 : i32
      %dma_wait3A_169 = tpu.memref_slice %arg2[%dma_wait3A_167, %dma_wait3A_168] : memref<10240x16xf32, #tpu.memory_space<hbm>> -> memref<10240x16xf32, #tpu.memory_space<hbm>>
      %dma_wait3A_170 = tpu.memref_slice %arg7[%dma_wait3A_159] : memref<5x!tpu.dma_semaphore, #tpu.memory_space<semaphore_mem>> -> memref<1x!tpu.dma_semaphore, #tpu.memory_space<semaphore_mem>>
      %dma_wait3A_171 = tpu.memref_squeeze %dma_wait3A_170 : memref<1x!tpu.dma_semaphore, #tpu.memory_space<semaphore_mem>> -> memref<!tpu.dma_semaphore, #tpu.memory_space<semaphore_mem>>
      tpu.wait_indirect_dma semaphore(%dma_wait3A_171 : memref<!tpu.dma_semaphore, #tpu.memory_space<semaphore_mem>>) src(%dma_wait3A_169 : memref<10240x16xf32, #tpu.memory_space<hbm>>) dst(%dma_wait3A_163 : memref<128x16xf32, #tpu.memory_space<vmem>>)
      %add3A_172 = arith.constant 3 : i32
      %add3A_173 = arith.addi %add3A_13, %add3A_172 : i32
      %mul3A_174 = arith.constant 128 : i32
      %mul3A_175 = arith.muli %add3A_173, %mul3A_174 : i32
      %run_scoped3A_176 = arith.constant 3 : i32
      "tpu.region"() ({
        %run_scoped3A_196 = tpu.sem_alloc : memref<!tpu.dma_semaphore, #tpu.memory_space<semaphore_mem>>
        %dma_start3A_197 = arith.constant 0 : i32
        %dma_start3A_198 = arith.constant 0 : i32
        %dma_start3A_199 = tpu.memref_slice %arg6[%run_scoped3A_176, %dma_start3A_197, %dma_start3A_198] : memref<5x128x16xf32, #tpu.memory_space<vmem>> -> memref<1x128x16xf32, #tpu.memory_space<vmem>>
        %dma_start3A_200 = tpu.memref_squeeze %dma_start3A_199 : memref<1x128x16xf32, #tpu.memory_space<vmem>> -> memref<128x16xf32, #tpu.memory_space<vmem>>
        %dma_start3A_201 = arith.constant 0 : i32
        %dma_start3A_202 = tpu.memref_slice %arg4[%mul3A_175, %dma_start3A_201] : memref<327680x16xf32, #tpu.memory_space<hbm>> -> memref<128x16xf32, #tpu.memory_space<hbm>>
        %dma_start3A_203 = arith.constant 0 : i32
        %dma_start3A_204 = tpu.memref_slice %arg4[%mul3A_175, %dma_start3A_203] : memref<327680x16xf32, #tpu.memory_space<hbm>> -> memref<128x16xf32, #tpu.memory_space<hbm>>
        %dma_start3A_205 = arith.constant 0 : i32
        %dma_start3A_206 = arith.constant 0 : i32
        %dma_start3A_207 = tpu.memref_slice %arg6[%run_scoped3A_176, %dma_start3A_205, %dma_start3A_206] : memref<5x128x16xf32, #tpu.memory_space<vmem>> -> memref<1x128x16xf32, #tpu.memory_space<vmem>>
        %dma_start3A_208 = tpu.memref_squeeze %dma_start3A_207 : memref<1x128x16xf32, #tpu.memory_space<vmem>> -> memref<128x16xf32, #tpu.memory_space<vmem>>
        tpu.enqueue_dma source(%dma_start3A_208 : memref<128x16xf32, #tpu.memory_space<vmem>>) target(%dma_start3A_204 : memref<128x16xf32, #tpu.memory_space<hbm>>) target_semaphore(%run_scoped3A_196 : memref<!tpu.dma_semaphore, #tpu.memory_space<semaphore_mem>>)
        %dma_wait3A_209 = arith.constant 0 : i32
        %dma_wait3A_210 = arith.constant 0 : i32
        %dma_wait3A_211 = tpu.memref_slice %arg6[%run_scoped3A_176, %dma_wait3A_209, %dma_wait3A_210] : memref<5x128x16xf32, #tpu.memory_space<vmem>> -> memref<1x128x16xf32, #tpu.memory_space<vmem>>
        %dma_wait3A_212 = tpu.memref_squeeze %dma_wait3A_211 : memref<1x128x16xf32, #tpu.memory_space<vmem>> -> memref<128x16xf32, #tpu.memory_space<vmem>>
        %dma_wait3A_213 = arith.constant 0 : i32
        %dma_wait3A_214 = tpu.memref_slice %arg4[%mul3A_175, %dma_wait3A_213] : memref<327680x16xf32, #tpu.memory_space<hbm>> -> memref<128x16xf32, #tpu.memory_space<hbm>>
        %dma_wait3A_215 = arith.constant 0 : i32
        %dma_wait3A_216 = tpu.memref_slice %arg4[%mul3A_175, %dma_wait3A_215] : memref<327680x16xf32, #tpu.memory_space<hbm>> -> memref<128x16xf32, #tpu.memory_space<hbm>>
        %dma_wait3A_217 = arith.constant 0 : i32
        %dma_wait3A_218 = arith.constant 0 : i32
        %dma_wait3A_219 = tpu.memref_slice %arg6[%run_scoped3A_176, %dma_wait3A_217, %dma_wait3A_218] : memref<5x128x16xf32, #tpu.memory_space<vmem>> -> memref<1x128x16xf32, #tpu.memory_space<vmem>>
        %dma_wait3A_220 = tpu.memref_squeeze %dma_wait3A_219 : memref<1x128x16xf32, #tpu.memory_space<vmem>> -> memref<128x16xf32, #tpu.memory_space<vmem>>
        tpu.wait_dma2 semaphore(%run_scoped3A_196 : memref<!tpu.dma_semaphore, #tpu.memory_space<semaphore_mem>>) src(%dma_wait3A_220 : memref<128x16xf32, #tpu.memory_space<vmem>>) dst(%dma_wait3A_216 : memref<128x16xf32, #tpu.memory_space<hbm>>)
        tpu.yield
      }) : () -> ()
      %dma_wait3A_177 = arith.constant 4 : i32
      %dma_wait3A_178 = arith.constant 4 : i32
      %dma_wait3A_179 = arith.constant 0 : i32
      %dma_wait3A_180 = arith.constant 0 : i32
      %dma_wait3A_181 = tpu.memref_slice %arg6[%dma_wait3A_177, %dma_wait3A_179, %dma_wait3A_180] : memref<5x128x16xf32, #tpu.memory_space<vmem>> -> memref<1x128x16xf32, #tpu.memory_space<vmem>>
      %dma_wait3A_182 = tpu.memref_squeeze %dma_wait3A_181 : memref<1x128x16xf32, #tpu.memory_space<vmem>> -> memref<128x16xf32, #tpu.memory_space<vmem>>
      %dma_wait3A_183 = arith.constant 0 : i32
      %dma_wait3A_184 = tpu.memref_slice %arg5[%add3A_88, %dma_wait3A_183] : memref<80x128xi32, #tpu.memory_space<vmem>> -> memref<1x128xi32, #tpu.memory_space<vmem>>
      %dma_wait3A_185 = tpu.memref_squeeze %dma_wait3A_184 : memref<1x128xi32, #tpu.memory_space<vmem>> -> memref<128xi32, #tpu.memory_space<vmem>>
      %dma_wait3A_186 = arith.constant 0 : i32
      %dma_wait3A_187 = arith.constant 0 : i32
      %dma_wait3A_188 = tpu.memref_slice %arg2[%dma_wait3A_186, %dma_wait3A_187] : memref<10240x16xf32, #tpu.memory_space<hbm>> -> memref<10240x16xf32, #tpu.memory_space<hbm>>
      %dma_wait3A_189 = tpu.memref_slice %arg7[%dma_wait3A_178] : memref<5x!tpu.dma_semaphore, #tpu.memory_space<semaphore_mem>> -> memref<1x!tpu.dma_semaphore, #tpu.memory_space<semaphore_mem>>
      %dma_wait3A_190 = tpu.memref_squeeze %dma_wait3A_189 : memref<1x!tpu.dma_semaphore, #tpu.memory_space<semaphore_mem>> -> memref<!tpu.dma_semaphore, #tpu.memory_space<semaphore_mem>>
      tpu.wait_indirect_dma semaphore(%dma_wait3A_190 : memref<!tpu.dma_semaphore, #tpu.memory_space<semaphore_mem>>) src(%dma_wait3A_188 : memref<10240x16xf32, #tpu.memory_space<hbm>>) dst(%dma_wait3A_182 : memref<128x16xf32, #tpu.memory_space<vmem>>)
      %add3A_191 = arith.constant 4 : i32
      %add3A_192 = arith.addi %add3A_13, %add3A_191 : i32
      %mul3A_193 = arith.constant 128 : i32
      %mul3A_194 = arith.muli %add3A_192, %mul3A_193 : i32
      %run_scoped3A_195 = arith.constant 4 : i32
      "tpu.region"() ({
        %run_scoped3A_196 = tpu.sem_alloc : memref<!tpu.dma_semaphore, #tpu.memory_space<semaphore_mem>>
        %dma_start3A_197 = arith.constant 0 : i32
        %dma_start3A_198 = arith.constant 0 : i32
        %dma_start3A_199 = tpu.memref_slice %arg6[%run_scoped3A_195, %dma_start3A_197, %dma_start3A_198] : memref<5x128x16xf32, #tpu.memory_space<vmem>> -> memref<1x128x16xf32, #tpu.memory_space<vmem>>
        %dma_start3A_200 = tpu.memref_squeeze %dma_start3A_199 : memref<1x128x16xf32, #tpu.memory_space<vmem>> -> memref<128x16xf32, #tpu.memory_space<vmem>>
        %dma_start3A_201 = arith.constant 0 : i32
        %dma_start3A_202 = tpu.memref_slice %arg4[%mul3A_194, %dma_start3A_201] : memref<327680x16xf32, #tpu.memory_space<hbm>> -> memref<128x16xf32, #tpu.memory_space<hbm>>
        %dma_start3A_203 = arith.constant 0 : i32
        %dma_start3A_204 = tpu.memref_slice %arg4[%mul3A_194, %dma_start3A_203] : memref<327680x16xf32, #tpu.memory_space<hbm>> -> memref<128x16xf32, #tpu.memory_space<hbm>>
        %dma_start3A_205 = arith.constant 0 : i32
        %dma_start3A_206 = arith.constant 0 : i32
        %dma_start3A_207 = tpu.memref_slice %arg6[%run_scoped3A_195, %dma_start3A_205, %dma_start3A_206] : memref<5x128x16xf32, #tpu.memory_space<vmem>> -> memref<1x128x16xf32, #tpu.memory_space<vmem>>
        %dma_start3A_208 = tpu.memref_squeeze %dma_start3A_207 : memref<1x128x16xf32, #tpu.memory_space<vmem>> -> memref<128x16xf32, #tpu.memory_space<vmem>>
        tpu.enqueue_dma source(%dma_start3A_208 : memref<128x16xf32, #tpu.memory_space<vmem>>) target(%dma_start3A_204 : memref<128x16xf32, #tpu.memory_space<hbm>>) target_semaphore(%run_scoped3A_196 : memref<!tpu.dma_semaphore, #tpu.memory_space<semaphore_mem>>)
        %dma_wait3A_209 = arith.constant 0 : i32
        %dma_wait3A_210 = arith.constant 0 : i32
        %dma_wait3A_211 = tpu.memref_slice %arg6[%run_scoped3A_195, %dma_wait3A_209, %dma_wait3A_210] : memref<5x128x16xf32, #tpu.memory_space<vmem>> -> memref<1x128x16xf32, #tpu.memory_space<vmem>>
        %dma_wait3A_212 = tpu.memref_squeeze %dma_wait3A_211 : memref<1x128x16xf32, #tpu.memory_space<vmem>> -> memref<128x16xf32, #tpu.memory_space<vmem>>
        %dma_wait3A_213 = arith.constant 0 : i32
        %dma_wait3A_214 = tpu.memref_slice %arg4[%mul3A_194, %dma_wait3A_213] : memref<327680x16xf32, #tpu.memory_space<hbm>> -> memref<128x16xf32, #tpu.memory_space<hbm>>
        %dma_wait3A_215 = arith.constant 0 : i32
        %dma_wait3A_216 = tpu.memref_slice %arg4[%mul3A_194, %dma_wait3A_215] : memref<327680x16xf32, #tpu.memory_space<hbm>> -> memref<128x16xf32, #tpu.memory_space<hbm>>
        %dma_wait3A_217 = arith.constant 0 : i32
        %dma_wait3A_218 = arith.constant 0 : i32
        %dma_wait3A_219 = tpu.memref_slice %arg6[%run_scoped3A_195, %dma_wait3A_217, %dma_wait3A_218] : memref<5x128x16xf32, #tpu.memory_space<vmem>> -> memref<1x128x16xf32, #tpu.memory_space<vmem>>
        %dma_wait3A_220 = tpu.memref_squeeze %dma_wait3A_219 : memref<1x128x16xf32, #tpu.memory_space<vmem>> -> memref<128x16xf32, #tpu.memory_space<vmem>>
        tpu.wait_dma2 semaphore(%run_scoped3A_196 : memref<!tpu.dma_semaphore, #tpu.memory_space<semaphore_mem>>) src(%dma_wait3A_220 : memref<128x16xf32, #tpu.memory_space<vmem>>) dst(%dma_wait3A_216 : memref<128x16xf32, #tpu.memory_space<hbm>>)
        tpu.yield
      }) : () -> ()
    }
    %scan3A_7 = arith.constant 16 : i32
    return
  }
}

</mosaic_0001>

<sc_bundles>
// kernel: _sc_gather.3.cloned.1.call-start
scs
__scs_entry_jumppad:
0x0: {  	(pc) =	sbr.rel $0x88, $3  }
0x1: {  	(tag) =	ssettag $0x0;
	lr =	simm.s32 $0x1  }
0x2: {  	[smem:$0x3F9F] =	sst lr;
	_ =	strace $0xD0000000  }
0x3: {  	_ = 	snop  }
0x4: {  	_ = 	snop  }
0x5: {  	_ = 	snop  }
0x6: {  	_ = 	snop  }
0x7: {  	_ = 	snop  }
__scs_overlays_trampoline_lowered:
0x8: {  	[smem:$0x3FAE] =	sst s0  }
0x9: {  	[smem:$0x3FAF] =	sst s1  }
0xa: {  	[smem:$0x3FB0] =	sst s2  }
0xb: {  	[smem:$0x3FB1] =	sst s3  }
0xc: {  	[smem:$0x3FB2] =	sst s4  }
0xd: {  	[smem:$0x3FB3] =	sst s5  }
0xe: {  	[smem:$0x3FB4] =	sst s6  }
0xf: {  	[smem:$0x3FB5] =	sst s7  }
0x10: {  	[smem:$0x3FB6] =	sst s8  }
0x11: {  	[smem:$0x3FB7] =	sst s9;
	s0 =	simm.s32 @!p0 $0x0  }
0x12: {  	s1 =	sld [smem:$0x3F9D];
	s0 =	simm.s32 @p0 $0x1  }
0x13: {  	[smem:$0x3FB8] =	sst s0;
	s0 =	simm.s32 @!p1 $0x0  }
0x14: {  	s2 =	sld [smem:$0x3F9C];
	s0 =	simm.s32 @p1 $0x1  }
0x15: {  	[smem:$0x3FB9] =	sst s0;
	s0 =	simm.s32 @!p2 $0x0  }
0x16: {  	s3 =	sld [smem:$0x3FDB];
	s0 =	simm.s32 @p2 $0x1  }
0x17: {  	s4 =	simm.s32 $0x1BF5;
	[smem:$0x3FBB] =	sst s0  }
0x18: {  	s0 =	sld [smem:$0x3F9E];
	_ =	swait.ge [sflag:s4], $0x0  }
0x19: {  	s7 =	sld [smem:$0x3F9F]  }
0x1a: {  	s8 =	sadd.s32 $0xFFFFE003, lr  }
0x1b: {  	s9 =	sadd.s32 $0xFFFFFEF7, lr;
	s5 =	simm.s32 $0xFFFFFFFF;
	p2 =	slt.u32 s8, $0xFFFFF086  }
0x1c: {  	p1 =	slt.u32 s9, $0xF7A;
	s5 =	simm.s32 @!p2 $0x0  }
0x1d: {  	s5 =	simm.s32 @p1 $0x1;
	p0 =	seq.s32 s7, s2  }
0x1e: {  	s7 =	smul.u32 @!p0 $0xF7A, s2;
	p2 =	seq.s32 @!p0 s5, $0x0  }
0x1f: {  	s9 =	smul.u32 $0xF7A, s1;
	s8 =	simm.s32 @!p0 $0x1BF5;
	p2 =	por !p2, p0  }
0x20: {  	[sflag:s8] =	ssyncset.s32 @!p0 $0xFFFFF086;
	s6 =	sadd.s32 @!p0 s3, s7;
	s7 =	simm.s32 @!p0 $0x108  }
0x21: {  	s3 =	sadd.s32 s3, s9;
	s6 =	sadd.s32 @!p0 $0x88, s6;
	s7 =	simm.s32 @p2 $0x1082  }
0x22: {  	[simem:s7], [sflag:s8] =	dma.local @!p0 [hbm:s6], $0xF7A  }
0x23: {  	s9 =	sor.u32 $0xD0000000, s2;
	s6 =	simm.s32 $0x108;
	_ =	swait.ge @!p0 [sflag:s8], $0x0  }
0x24: {  	s3 =	sadd.s32 $0x88, s3;
	s6 =	simm.s32 @!p1 $0x1082;
	[sflag:s4] =	ssyncset.s32 $0xFFFFF086  }
0x25: {  	[simem:s6], [sflag:s4] =	dma.local [hbm:s3], $0xF7A  }
0x26: {  	[smem:$0x3F9F] =	sst s1;
	(tag) =	ssettag s2;
	_ =	strace s9  }
0x27: {  	s1 =	sld [smem:$0x3FAF]  }
0x28: {  	s2 =	sld [smem:$0x3FB0]  }
0x29: {  	s4 =	sld [smem:$0x3FB2]  }
0x2a: {  	p0 =	seq.s32 s5, $0x0;
	s5 =	sld [smem:$0x3FB3]  }
0x2b: {  	s6 =	sld [smem:$0x3FB4]  }
0x2c: {  	s7 =	sld [smem:$0x3FB5]  }
0x2d: {  	s3 =	simm.s32 $0x108;
	s8 =	sld [smem:$0x3FB6]  }
0x2e: {  	s3 =	simm.s32 @!p0 $0x1082;
	s9 =	sld [smem:$0x3FB7]  }
0x2f: {  	lr =	sadd.s32 s0, s3;
	s0 =	sld [smem:$0x3FAE]  }
0x30: {  	s3 =	sld [smem:$0x3FB1]  }
0x31: {  	[smem:$0x3FBA] =	sst s10  }
0x32: {  	s10 =	sld [smem:$0x3FB8];
	_ =	sdelay $0x3  }
0x33: {  	p0 =	seq.s32 s10, $0x1;
	s10 =	sld [smem:$0x3FBA];
	_ =	sdelay $0x3  }
0x34: {  	[smem:$0x3FBA] =	sst s10  }
0x35: {  	s10 =	sld [smem:$0x3FB9];
	_ =	sdelay $0x3  }
0x36: {  	p1 =	seq.s32 s10, $0x1;
	s10 =	sld [smem:$0x3FBA];
	_ =	sdelay $0x3  }
0x37: {  	[smem:$0x3FBA] =	sst s10  }
0x38: {  	s10 =	sld [smem:$0x3FBB]  }
0x39: {  	_ = 	snop;
	(pc) =	sbr.ind lr, $3  }
0x3a: {  	_ = 	snop  }
0x3b: {  	_ = 	snop  }
0x3c: {  	p2 =	seq.s32 s10, $0x1;
	s10 =	sld [smem:$0x3FBA]  }
0x3d: {  	_ =	shalt  }
0x3e: {  	_ =	shalt  }
0x3f: {  	_ =	shalt  }
0x40: {  	_ =	shalt  }
0x41: {  	_ =	shalt  }
0x42: {  	_ =	shalt  }
0x43: {  	_ =	shalt  }
0x44: {  	_ =	shalt  }
0x45: {  	_ =	shalt  }
0x46: {  	_ =	shalt  }
0x47: {  	_ =	shalt  }
0x48: {  	_ =	shalt  }
0x49: {  	_ =	shalt  }
0x4a: {  	_ =	shalt  }
0x4b: {  	_ =	shalt  }
0x4c: {  	_ =	shalt  }
0x4d: {  	_ =	shalt  }
0x4e: {  	_ =	shalt  }
0x4f: {  	_ =	shalt  }
0x50: {  	_ =	shalt  }
0x51: {  	_ =	shalt  }
0x52: {  	_ =	shalt  }
0x53: {  	_ =	shalt  }
0x54: {  	_ =	shalt  }
0x55: {  	_ =	shalt  }
0x56: {  	_ =	shalt  }
0x57: {  	_ =	shalt  }
0x58: {  	_ =	shalt  }
0x59: {  	_ =	shalt  }
0x5a: {  	_ =	shalt  }
0x5b: {  	_ =	shalt  }
0x5c: {  	_ =	shalt  }
0x5d: {  	_ =	shalt  }
0x5e: {  	_ =	shalt  }
0x5f: {  	_ =	shalt  }
0x60: {  	_ =	shalt  }
0x61: {  	_ =	shalt  }
0x62: {  	_ =	shalt  }
0x63: {  	_ =	shalt  }
0x64: {  	_ =	shalt  }
0x65: {  	_ =	shalt  }
0x66: {  	_ =	shalt  }
0x67: {  	_ =	shalt  }
0x68: {  	_ =	shalt  }
0x69: {  	_ =	shalt  }
0x6a: {  	_ =	shalt  }
0x6b: {  	_ =	shalt  }
0x6c: {  	_ =	shalt  }
0x6d: {  	_ =	shalt  }
0x6e: {  	_ =	shalt  }
0x6f: {  	_ =	shalt  }
0x70: {  	_ =	shalt  }
0x71: {  	_ =	shalt  }
0x72: {  	_ =	shalt  }
0x73: {  	_ =	shalt  }
0x74: {  	_ =	shalt  }
0x75: {  	_ =	shalt  }
0x76: {  	_ =	shalt  }
0x77: {  	_ =	shalt  }
0x78: {  	_ =	shalt  }
0x79: {  	_ =	shalt  }
0x7a: {  	_ =	shalt  }
0x7b: {  	_ =	shalt  }
0x7c: {  	_ =	shalt  }
0x7d: {  	_ =	shalt  }
0x7e: {  	_ =	shalt  }
0x7f: {  	_ =	shalt  }
0x80: {  	_ =	shalt  }
0x81: {  	_ =	shalt  }
0x82: {  	_ =	shalt  }
0x83: {  	_ =	shalt  }
0x84: {  	_ =	shalt  }
0x85: {  	_ =	shalt  }
0x86: {  	_ =	shalt  }
0x87: {  	_ =	shalt  }
.Lfunc_end0:
.L_simem_size_0:
called_computation_lowered:
.L_overlay_start_0:
0x88: {  	s2 =	sld [smem:$0x3FD9]  }
0x89: {  	s3 =	sld [smem:$0x3FFE];
	_ =	sdelay $0x1  }
0x8a: {  	s1 =	srdreg.scid  }
0x8b: {  	s0 =	sand.u32 $0x1, s1  }
0x8c: {  	s17 =	sshll.u32 s0, $0xA;
	s2 =	sadd.s32 s3, s2  }
0x8d: {  	s2 =	sadd.s32 s2, s17  }
0x8e: {  	[smem:$0x3FC6] =	sst s2  }
0x8f: {  	_ = 	snop  }
0x90: {  	s2 =	sld [smem:$0x3FC8]  }
0x91: {  	s18 =	sld [smem:$0x3FD0];
	(tm) =	ssettm $0x1  }
0x92: {  	s4 =	sld [smem:$0x3FFB];
	_ =	sdelay $0x3  }
0x93: {  	_ =	strace s4  }
0x94: {  	s4 =	sld [smem:$0x3FFC];
	_ =	sdelay $0x3  }
0x95: {  	_ =	strace s4  }
0x96: {  	s4 =	sld [smem:$0x3FFD];
	_ =	sdelay $0x3  }
0x97: {  	_ =	strace s4  }
0x98: {  	_ =	strace $0x8FFFFFFF  }
0x99: {  	s19 =	sld [smem:$0x3FDB];
	_ =	sdelay $0x1  }
0x9a: {  	s5 =	simm.s32 $_scs_section_size  }
0x9b: {  	s6 =	simm.s32 $_size__tile_overlayer_lowered;
	s7 =	simm.s32 $_tile_overlayer_lowered  }
0x9c: {  	s22 =	simm.s32 $0x1BFF;
	s21 =	sshll.u32 s7, $0x1;
	s4 =	sadd.s32 s5, s19  }
0x9d: {  	s8 =	simm.s32 $0x0;
	s20 =	sshll.u32 s6, $0x1;
	s6 =	sadd.s32 s21, s4  }
0x9e: {  	[timem:s8], [sflag:s22] =	dma.local [hbm:s6], s20  }
0x9f: {  	_ =	swait.ge [sflag:s22], s20  }
0xa0: {  	s5 =	ssub.s32 $0x0, s20;
	[sflag:s22] =	ssyncset.done $0x0  }
0xa1: {  	[sflag:s22] =	ssyncadd.s32 s5;
	_ =	sdelay $0x1  }
0xa2: {  	s23 =	simm.s32 $0x1B8B  }
0xa3: {  	_ =	swait.ge [sflag:s23], $0x1  }
0xa4: {  	[sflag:s23] =	ssyncset.done $0x0  }
0xa5: {  	s25 =	simm.s32 $0x1B8E;
	s24 =	sld [smem:$0x3FFE];
	[sflag:s23] =	ssyncadd.s32 $0xFFFFFFFF  }
0xa6: {  	s26 =	simm.s32 $execute0_lowered;
	[smem:$0x3FD2] =	sst s25  }
0xa7: {  	s6 =	sshll.u32 s26, $0x1;
	_ =	strace $0x80000046;
	[dreg:$0x1] =	wrdreg $0xFFFFFFFF  }
0xa8: {  	s28 =	simm.s32 $_size_execute0_lowered;
	s4 =	sadd.s32 s4, s6;
	[dreg:$0x0] =	wrdreg $0x0  }
0xa9: {  	s6 =	sshll.u32 s28, $0x1;
	[dreg:$0x2] =	wrdreg s4  }
0xaa: {  	[dreg:$0x3] =	wrdreg s6  }
0xab: {  	[dreg:$0x4] =	wrdreg $0xC0  }
0xac: {  	_ =	task [dreg:s8], $0x5FFFF  }
0xad: {  	[dreg:$0x1] =	wrdreg $0xFFFFFFFF  }
0xae: {  	[dreg:$0x0] =	wrdreg $0x60  }
0xaf: {  	[dreg:$0x2] =	wrdreg s24  }
0xb0: {  	[dreg:$0x3] =	wrdreg s2  }
0xb1: {  	[dreg:$0x4] =	wrdreg s18  }
0xb2: {  	[dreg:$0x5] =	wrdreg $0x9  }
0xb3: {  	_ =	task.clear_ibuf [dreg:s8], $0x6FFFF;
	_ =	strace $0x90000046  }
0xb4: {  	s29 =	simm.s32 $0x9;
	_ =	strace $0x80000048  }
0xb5: {  	_ =	swait.ge [sflag:s29], $0x1  }
0xb6: {  	[sflag:s29] =	ssyncadd.s32 $0xFFFFFFFF  }
0xb7: {  	_ =	strace $0x90000048  }
0xb8: {  	_ =	sfence  }
0xb9: {  	s30 =	sld [smem:$0x0];
	_ =	sdelay $0x2  }
0xba: {  	s31 =	sshll.u32 s1, $0xD;
	s1 =	sshrl.u32 s1, $0x2  }
0xbb: {  	s3 =	sand.u32 $0x4000, s31;
	s1 =	sadd.s32 s1, s30  }
0xbc: {  	s0 =	sor.u32 s3, s0;
	s1 =	sshll.u32 s1, $0x11  }
0xbd: {  	s0 =	sor.u32 s1, s0  }
0xbe: {  	s0 =	sadd.s32 $0x8F2B, s0  }
0xbf: {  	[sflag:s0] =	ssyncadd.remote.s32 $0x1  }
0xc0: {  	_ =	sfence.sel $0xFFFF  }
0xc1: {  	[dreg:$0x0] =	wrdreg $0xFFFFFFFF;
	(pc) =	sbr.abs _section_cstart, $3  }
0xc2: {  	[dreg:$0x1] =	wrdreg $0xFFFFFFFF  }
0xc3: {  	_ =	task.clear_ibuf [dreg:s8], $0x2FFFF;
	_ =	strace $0x9FFFFFFF  }
0xc4: {  	(tm) =	ssettm $0x7FFFFFFF  }
0xc5: {  	_ =	shalt  }
tec
execute0_lowered:
.L_overlay_start_1:
0x0: {  	(tag) =	ssettag $0x1  }
0x1: {  	s3 =	rddreg [dreg:$0x0]  }
0x2: {  	s4 =	rddreg [dreg:$0x1];
	s1 =	srdreg.scid  }
0x3: {  	s0 =	stileid.u32;
	s5 =	rddreg [dreg:$0x2];
	s2 =	simm.s32 $0x0  }
0x4: {  	s11 =	simm.s32 $0x3800;
	s12 =	simm.s32 $0x4000;
	s13 =	simm.s32 $0x4800  }
0x5: {  	s14 =	simm.s32 $0x1;
	s15 =	simm.s32 $0x2;
	s16 =	simm.s32 $0x3  }
0x6: {  	s17 =	simm.s32 $0x4;
	s18 =	simm.s32 $0x5;
	s19 =	simm.s32 $0x0  }
0x7: {  	s6 =	sand.u32 $0x1, s1;
	s7 =	sshll.u32 s0, $0x1;
	s1 =	rddreg [dreg:$0x3]  }
0x8: {  	[smem:$0x7FF] =	sst s2;
	s9 =	smul.u32 $0xA000, s0;
	s3 =	sadd.s32 $0x400, s3  }
0x9: {  	s7 =	sor.u32 s6, s7;
	s8 =	ssub.s32 $0x2, s6;
	s6 =	smul.u32 $0x5000, s6  }
0xa: {  	_ =	strace $0x80000047;
	s7 =	smul.u32 $0x500, s7;
	s10 =	sshrl.u32 s8, $0x1  }
0xb: {  	s31 =	sadd.s32 s9, s5;
	s9 =	simm.s32 $0x2800;
	s8 =	ssub.s32 s8, s10  }
0xc: {  	s6 =	sadd.s32 s6, s31;
	s10 =	simm.s32 $0x3000;
	s4 =	sadd.s32 s4, s7  }
0xd: {  	s5 =	smax.u32 s8, $0x1;
	s7 =	simm.s32 $0x6;
	s8 =	simm.s32 $0x80  }
.LBB2_1:
0xe: {  	[tilespmem:s2], [sflag:$0x6] =	stream.linear.gather [hbm4b:s4+s2], $0x2800, $0x38;
	[tilespmem:$0x5000] =	vst v63  }
0xf: {  	_ =	swait.ge [sflag:s7], $0x2800  }
0x10: {  	[sflag:s7] =	ssyncset.done $0x0  }
0x11: {  	s20 =	simm.s32 $0x0;
	[sflag:s7] =	ssyncadd.s32 $0xFFFFD800  }
0x12: {  	[tilespmem:s9], [sflag:$0x1] =	stream.indirect.gather [hbm4b:s3+s8], $0x10, s20, s8, $0xb8;
	[tilespmem:$0x5000] =	vst v63  }
0x13: {  	s23 =	simm.s32 $0x80  }
0x14: {  	[tilespmem:s10], [sflag:$0x2] =	stream.indirect.gather [hbm4b:s3+s8], $0x10, s23, s8, $0xb8;
	[tilespmem:$0x5000] =	vst v63  }
0x15: {  	s24 =	simm.s32 $0x100  }
0x16: {  	[tilespmem:s11], [sflag:$0x3] =	stream.indirect.gather [hbm4b:s3+s8], $0x10, s24, s8, $0xb8;
	[tilespmem:$0x5000] =	vst v63  }
0x17: {  	s25 =	simm.s32 $0x180  }
0x18: {  	[tilespmem:s12], [sflag:$0x4] =	stream.indirect.gather [hbm4b:s3+s8], $0x10, s25, s8, $0xb8;
	[tilespmem:$0x5000] =	vst v63  }
0x19: {  	s26 =	simm.s32 $0x200  }
0x1a: {  	[tilespmem:s13], [sflag:$0x5] =	stream.indirect.gather [hbm4b:s3+s8], $0x10, s26, s8, $0xb8;
	[tilespmem:$0x5000] =	vst v63  }
0x1b: {  	_ =	swait.ge [sflag:s14], $0x800  }
0x1c: {  	[sflag:s14] =	ssyncset.done $0x0  }
0x1d: {  	[sflag:s14] =	ssyncadd.s32 $0xFFFFF800  }
0x1e: {  	[hbm4b:s6+s2] =	stream.linear.scatter [tilespmem:s9], [sflag:$0x6], $0x800, $0x38;
	[tilespmem:$0x5000] =	vst v63  }
0x1f: {  	_ =	swait.ge [sflag:s7], $0x800  }
0x20: {  	[sflag:s7] =	ssyncset.done $0x0  }
0x21: {  	[sflag:s7] =	ssyncadd.s32 $0xFFFFF800  }
0x22: {  	_ =	swait.ge [sflag:s15], $0x800  }
0x23: {  	[sflag:s15] =	ssyncset.done $0x0  }
0x24: {  	s28 =	sadd.s32 $0x100, s6;
	[sflag:s15] =	ssyncadd.s32 $0xFFFFF800  }
0x25: {  	[hbm4b:s28+s2] =	stream.linear.scatter [tilespmem:s10], [sflag:$0x6], $0x800, $0x38;
	[tilespmem:$0x5000] =	vst v63  }
0x26: {  	_ =	swait.ge [sflag:s7], $0x800  }
0x27: {  	[sflag:s7] =	ssyncset.done $0x0  }
0x28: {  	[sflag:s7] =	ssyncadd.s32 $0xFFFFF800  }
0x29: {  	_ =	swait.ge [sflag:s16], $0x800  }
0x2a: {  	[sflag:s16] =	ssyncset.done $0x0  }
0x2b: {  	s29 =	sadd.s32 $0x200, s6;
	[sflag:s16] =	ssyncadd.s32 $0xFFFFF800  }
0x2c: {  	[hbm4b:s29+s2] =	stream.linear.scatter [tilespmem:s11], [sflag:$0x6], $0x800, $0x38;
	[tilespmem:$0x5000] =	vst v63  }
0x2d: {  	_ =	swait.ge [sflag:s7], $0x800  }
0x2e: {  	[sflag:s7] =	ssyncset.done $0x0  }
0x2f: {  	[sflag:s7] =	ssyncadd.s32 $0xFFFFF800  }
0x30: {  	_ =	swait.ge [sflag:s17], $0x800  }
0x31: {  	[sflag:s17] =	ssyncset.done $0x0  }
0x32: {  	s30 =	sadd.s32 $0x300, s6;
	[sflag:s17] =	ssyncadd.s32 $0xFFFFF800  }
0x33: {  	[hbm4b:s30+s2] =	stream.linear.scatter [tilespmem:s12], [sflag:$0x6], $0x800, $0x38;
	[tilespmem:$0x5000] =	vst v63  }
0x34: {  	_ =	swait.ge [sflag:s7], $0x800  }
0x35: {  	[sflag:s7] =	ssyncset.done $0x0  }
0x36: {  	[sflag:s7] =	ssyncadd.s32 $0xFFFFF800  }
0x37: {  	_ =	swait.ge [sflag:s18], $0x800  }
0x38: {  	[sflag:s18] =	ssyncset.done $0x0  }
0x39: {  	s31 =	sadd.s32 $0x400, s6;
	[sflag:s18] =	ssyncadd.s32 $0xFFFFF800  }
0x3a: {  	[hbm4b:s31+s2] =	stream.linear.scatter [tilespmem:s13], [sflag:$0x6], $0x800, $0x38;
	[tilespmem:$0x5000] =	vst v63  }
0x3b: {  	s21 =	simm.s32 $0xA00;
	_ =	swait.ge [sflag:s7], $0x800  }
0x3c: {  	s20 =	sadd.s32 $0x500, s6;
	s23 =	simm.s32 $0x1400;
	[sflag:s7] =	ssyncset.done $0x0  }
.LBB2_2:
0x3d: {  	s24 =	sshra.s32 s21, $0x2  }
0x3e: {  	[sflag:s7] =	ssyncadd.s32 $0xFFFFF800;
	s21 =	smov.u32 s23;
	s22 =	sadd.s32 $0xA00, s23  }
0x3f: {  	[tilespmem:s9], [sflag:$0x1] =	stream.indirect.gather [hbm4b:s3+s8], $0x10, s24, s8, $0xb8;
	[tilespmem:$0x5000] =	vst v63  }
0x40: {  	p0 =	sne.s32 s23, $0x9600;
	s23 =	sadd.s32 $0x80, s24  }
0x41: {  	[tilespmem:s10], [sflag:$0x2] =	stream.indirect.gather [hbm4b:s3+s8], $0x10, s23, s8, $0xb8;
	[tilespmem:$0x5000] =	vst v63  }
0x42: {  	s23 =	sadd.s32 $0x100, s24  }
0x43: {  	[tilespmem:s11], [sflag:$0x3] =	stream.indirect.gather [hbm4b:s3+s8], $0x10, s23, s8, $0xb8;
	[tilespmem:$0x5000] =	vst v63  }
0x44: {  	s23 =	sadd.s32 $0x180, s24  }
0x45: {  	[tilespmem:s12], [sflag:$0x4] =	stream.indirect.gather [hbm4b:s3+s8], $0x10, s23, s8, $0xb8;
	[tilespmem:$0x5000] =	vst v63  }
0x46: {  	s23 =	sadd.s32 $0x200, s24  }
0x47: {  	[tilespmem:s13], [sflag:$0x5] =	stream.indirect.gather [hbm4b:s3+s8], $0x10, s23, s8, $0xb8;
	[tilespmem:$0x5000] =	vst v63  }
0x48: {  	_ =	swait.ge [sflag:s14], $0x800  }
0x49: {  	[sflag:s14] =	ssyncset.done $0x0  }
0x4a: {  	[sflag:s14] =	ssyncadd.s32 $0xFFFFF800  }
0x4b: {  	[hbm4b:s20+s2] =	stream.linear.scatter [tilespmem:s9], [sflag:$0x6], $0x800, $0x38;
	[tilespmem:$0x5000] =	vst v63  }
0x4c: {  	_ =	swait.ge [sflag:s7], $0x800  }
0x4d: {  	[sflag:s7] =	ssyncset.done $0x0  }
0x4e: {  	[sflag:s7] =	ssyncadd.s32 $0xFFFFF800  }
0x4f: {  	_ =	swait.ge [sflag:s15], $0x800  }
0x50: {  	[sflag:s15] =	ssyncset.done $0x0  }
0x51: {  	s23 =	sadd.s32 $0x100, s20;
	[sflag:s15] =	ssyncadd.s32 $0xFFFFF800  }
0x52: {  	[hbm4b:s23+s2] =	stream.linear.scatter [tilespmem:s10], [sflag:$0x6], $0x800, $0x38;
	[tilespmem:$0x5000] =	vst v63  }
0x53: {  	_ =	swait.ge [sflag:s7], $0x800  }
0x54: {  	[sflag:s7] =	ssyncset.done $0x0  }
0x55: {  	[sflag:s7] =	ssyncadd.s32 $0xFFFFF800  }
0x56: {  	_ =	swait.ge [sflag:s16], $0x800  }
0x57: {  	[sflag:s16] =	ssyncset.done $0x0  }
0x58: {  	s23 =	sadd.s32 $0x200, s20;
	[sflag:s16] =	ssyncadd.s32 $0xFFFFF800  }
0x59: {  	[hbm4b:s23+s2] =	stream.linear.scatter [tilespmem:s11], [sflag:$0x6], $0x800, $0x38;
	[tilespmem:$0x5000] =	vst v63  }
0x5a: {  	_ =	swait.ge [sflag:s7], $0x800  }
0x5b: {  	[sflag:s7] =	ssyncset.done $0x0  }
0x5c: {  	[sflag:s7] =	ssyncadd.s32 $0xFFFFF800  }
0x5d: {  	_ =	swait.ge [sflag:s17], $0x800  }
0x5e: {  	[sflag:s17] =	ssyncset.done $0x0  }
0x5f: {  	s23 =	sadd.s32 $0x300, s20;
	[sflag:s17] =	ssyncadd.s32 $0xFFFFF800  }
0x60: {  	[hbm4b:s23+s2] =	stream.linear.scatter [tilespmem:s12], [sflag:$0x6], $0x800, $0x38;
	[tilespmem:$0x5000] =	vst v63  }
0x61: {  	_ =	swait.ge [sflag:s7], $0x800  }
0x62: {  	[sflag:s7] =	ssyncset.done $0x0  }
0x63: {  	[sflag:s7] =	ssyncadd.s32 $0xFFFFF800  }
0x64: {  	_ =	swait.ge [sflag:s18], $0x800  }
.Ltmp0:
0x65: {  	[sflag:s18] =	ssyncset.done $0x0;
	(pc) =	sbr.rel @p0 .LBB2_2-.Ltmp0, $4  }
0x66: {  	s23 =	sadd.s32 $0x400, s20;
	[sflag:s18] =	ssyncadd.s32 $0xFFFFF800  }
0x67: {  	[hbm4b:s23+s2] =	stream.linear.scatter [tilespmem:s13], [sflag:$0x6], $0x800, $0x38;
	[tilespmem:$0x5000] =	vst v63  }
0x68: {  	_ =	swait.ge [sflag:s7], $0x800  }
0x69: {  	s20 =	sadd.s32 $0x500, s20;
	s23 =	smov.u32 s22;
	[sflag:s7] =	ssyncset.done $0x0  }
0x6a: {  	s21 =	sshra.s32 s21, $0x2;
	[sflag:s7] =	ssyncadd.s32 $0xFFFFF800  }
0x6b: {  	[tilespmem:s9], [sflag:$0x1] =	stream.indirect.gather [hbm4b:s3+s8], $0x10, s21, s8, $0xb8;
	[tilespmem:$0x5000] =	vst v63  }
0x6c: {  	s22 =	sadd.s32 $0x80, s21  }
0x6d: {  	[tilespmem:s10], [sflag:$0x2] =	stream.indirect.gather [hbm4b:s3+s8], $0x10, s22, s8, $0xb8;
	[tilespmem:$0x5000] =	vst v63  }
0x6e: {  	s25 =	sadd.s32 $0x100, s21  }
0x6f: {  	[tilespmem:s11], [sflag:$0x3] =	stream.indirect.gather [hbm4b:s3+s8], $0x10, s25, s8, $0xb8;
	[tilespmem:$0x5000] =	vst v63  }
0x70: {  	s26 =	sadd.s32 $0x180, s21  }
0x71: {  	[tilespmem:s12], [sflag:$0x4] =	stream.indirect.gather [hbm4b:s3+s8], $0x10, s26, s8, $0xb8;
	[tilespmem:$0x5000] =	vst v63  }
0x72: {  	s21 =	sadd.s32 $0x200, s21  }
0x73: {  	[tilespmem:s13], [sflag:$0x5] =	stream.indirect.gather [hbm4b:s3+s8], $0x10, s21, s8, $0xb8;
	[tilespmem:$0x5000] =	vst v63  }
0x74: {  	_ =	swait.ge [sflag:s14], $0x800  }
0x75: {  	[sflag:s14] =	ssyncset.done $0x0  }
0x76: {  	[sflag:s14] =	ssyncadd.s32 $0xFFFFF800  }
0x77: {  	[hbm4b:s20+s2] =	stream.linear.scatter [tilespmem:s9], [sflag:$0x6], $0x800, $0x38;
	[tilespmem:$0x5000] =	vst v63  }
0x78: {  	_ =	swait.ge [sflag:s7], $0x800  }
0x79: {  	[sflag:s7] =	ssyncset.done $0x0  }
0x7a: {  	[sflag:s7] =	ssyncadd.s32 $0xFFFFF800  }
0x7b: {  	_ =	swait.ge [sflag:s15], $0x800  }
0x7c: {  	[sflag:s15] =	ssyncset.done $0x0  }
0x7d: {  	s28 =	sadd.s32 $0x100, s20;
	[sflag:s15] =	ssyncadd.s32 $0xFFFFF800  }
0x7e: {  	[hbm4b:s28+s2] =	stream.linear.scatter [tilespmem:s10], [sflag:$0x6], $0x800, $0x38;
	[tilespmem:$0x5000] =	vst v63  }
0x7f: {  	_ =	swait.ge [sflag:s7], $0x800  }
0x80: {  	[sflag:s7] =	ssyncset.done $0x0  }
0x81: {  	[sflag:s7] =	ssyncadd.s32 $0xFFFFF800  }
0x82: {  	_ =	swait.ge [sflag:s16], $0x800  }
0x83: {  	[sflag:s16] =	ssyncset.done $0x0  }
0x84: {  	s29 =	sadd.s32 $0x200, s20;
	[sflag:s16] =	ssyncadd.s32 $0xFFFFF800  }
0x85: {  	[hbm4b:s29+s2] =	stream.linear.scatter [tilespmem:s11], [sflag:$0x6], $0x800, $0x38;
	[tilespmem:$0x5000] =	vst v63  }
0x86: {  	_ =	swait.ge [sflag:s7], $0x800  }
0x87: {  	[sflag:s7] =	ssyncset.done $0x0  }
0x88: {  	[sflag:s7] =	ssyncadd.s32 $0xFFFFF800  }
0x89: {  	_ =	swait.ge [sflag:s17], $0x800  }
0x8a: {  	[sflag:s17] =	ssyncset.done $0x0  }
0x8b: {  	s30 =	sadd.s32 $0x300, s20;
	[sflag:s17] =	ssyncadd.s32 $0xFFFFF800  }
0x8c: {  	[hbm4b:s30+s2] =	stream.linear.scatter [tilespmem:s12], [sflag:$0x6], $0x800, $0x38;
	[tilespmem:$0x5000] =	vst v63  }
0x8d: {  	_ =	swait.ge [sflag:s7], $0x800  }
0x8e: {  	[sflag:s7] =	ssyncset.done $0x0  }
0x8f: {  	[sflag:s7] =	ssyncadd.s32 $0xFFFFF800  }
0x90: {  	s19 =	sadd.s32 $0x1, s19;
	_ =	swait.ge [sflag:s18], $0x800  }
0x91: {  	p0 =	sne.s32 s19, s5;
	[sflag:s18] =	ssyncset.done $0x0  }
.Ltmp1:
0x92: {  	s31 =	sadd.s32 $0x400, s20;
	[sflag:s18] =	ssyncadd.s32 $0xFFFFF800;
	(pc) =	sbr.rel @p0 .LBB2_1-.Ltmp1, $4  }
0x93: {  	[hbm4b:s31+s2] =	stream.linear.scatter [tilespmem:s13], [sflag:$0x6], $0x800, $0x38;
	[tilespmem:$0x5000] =	vst v63  }
0x94: {  	_ =	swait.ge [sflag:s7], $0x800  }
0x95: {  	[sflag:s7] =	ssyncset.done $0x0  }
0x96: {  	[sflag:s7] =	ssyncadd.s32 $0xFFFFF800  }
0x97: {  	_ =	sfence.sel $0x180000  }
0x98: {  	[bflag:$0x0] =	sbarrier.arrive $0xFFFF  }
0x99: {  	p0 =	sne.s32 s0, $0x0;
	_ =	strace $0x90000047  }
0x9a: {  	s0 =	sadd.s32 @!p0 $0x100000, s1;
	[bflag:$0x2] =	sbarrier.arrive $0xFFFF  }
0x9b: {  	[sflag:s0] =	ssyncadd.tile.s32 @!p0 $0x1;
	_ =	shalt  }
.Lfunc_end2:
_tile_overlayer_lowered:
.L_overlay_start_2:
0x9c: {  	(tag) =	ssettag $0x2  }
0x9d: {  	s0 =	rddreg [dreg:$0x0];
	s2 =	stileid.u32  }
0x9e: {  	s1 =	rddreg [dreg:$0x1];
	p0 =	sne.s32 s2, $0x0  }
0x9f: {  	s3 =	rddreg [dreg:$0x2];
	[bflag:$0x3] =	sbarrier.arrive $0xFFFF;
	s2 =	simm.s32 @!p0 $0x1C06  }
0xa0: {  	[timem:s3], [sflag:s2] =	dma.local @!p0 [hbm:s0], s1  }
0xa1: {  	s0 =	simm.s32 @!p0 $0x6  }
0xa2: {  	_ =	swait.ge @!p0 [sflag:s0], s1  }
0xa3: {  	s1 =	ssub.s32 @!p0 $0x0, s1;
	[sflag:s0] =	ssyncset.done @!p0 $0x0  }
0xa4: {  	[sflag:s0] =	ssyncadd.s32 @!p0 s1  }
0xa5: {  	[bflag:$0x3] =	sbarrier.arrive $0xFFFF  }
0xa6: {  	_ =	shalt  }

</sc_bundles>
